<compile_context>
chip_gen: v7x
topology: tpu7x:2x2x1
jax: 0.10.2.dev20260603
libtpu: 0.0.44.dev20260713+nightly
codegen_flags: <defaults>
</compile_context>

<pallas_src>
import functools

import jax
import jax.numpy as jnp
from jax import lax
from jax.experimental import pallas as pl
from jax.experimental.pallas import tpu as pltpu
from jax.experimental.pallas import tpu_sc as plsc

B = 320000
D = 128
V = 10000
NW = 32
BPW = B // NW
E = 80
NCH = BPW // E
G = E // 16

_mesh = plsc.VectorSubcoreMesh(core_axis_name="c", subcore_axis_name="s")


@functools.partial(
    pl.kernel,
    mesh=_mesh,
    out_type=jax.ShapeDtypeStruct((B,), jnp.float32),
    scratch_types=[
        pltpu.VMEM((BPW,), jnp.int32),
        pltpu.VMEM((BPW,), jnp.int32),
        pltpu.VMEM((BPW + 16,), jnp.float32),
        pltpu.VMEM((E, D), jnp.bfloat16),
        pltpu.VMEM((E, D), jnp.bfloat16),
        pltpu.VMEM((E, D), jnp.bfloat16),
        pltpu.VMEM((E, D), jnp.bfloat16),
        pltpu.VMEM((E, D), jnp.bfloat16),
        pltpu.VMEM((E, D), jnp.bfloat16),
        pltpu.VMEM((E, D), jnp.bfloat16),
        pltpu.VMEM((E, D), jnp.bfloat16),
        pltpu.VMEM_SHARED((V, D), jnp.bfloat16),
        pltpu.SemaphoreType.DMA,
        pltpu.SemaphoreType.DMA,
        pltpu.SemaphoreType.DMA,
        pltpu.SemaphoreType.DMA,
    ],
    compiler_params=pltpu.CompilerParams(
        needs_layout_passes=False, use_tc_tiling_on_sc=False
    ),
)
def _sc_dot(table, edges, o_hbm, sidx, didx, obuf,
            sr0, dr0, sr1, dr1, sr2, dr2, sr3, dr3, stab,
            sem0, sem1, sem2, sem3):
    sid = lax.axis_index("s")
    wid = sid * 2 + lax.axis_index("c")
    base = wid * BPW
    vps = V // 16
    pltpu.sync_copy(table.at[pl.ds(sid * vps, vps)], stab.at[pl.ds(sid * vps, vps)])
    pltpu.sync_copy(edges.at[pl.ds(base, BPW)], sidx)
    pltpu.sync_copy(edges.at[pl.ds(B + base, BPW)], didx)
    plsc.subcore_barrier()

    bufs = ((sr0, dr0, sem0), (sr1, dr1, sem1),
            (sr2, dr2, sem2), (sr3, dr3, sem3))
    lane = lax.iota(jnp.int32, 16)

    def issue(ci, b):
        off = ci * E
        srow, drow, sem = bufs[b]
        pltpu.async_copy(stab.at[sidx.at[pl.ds(off, E)]], srow, sem)
        pltpu.async_copy(stab.at[didx.at[pl.ds(off, E)]], drow, sem)

    issue(0, 0)
    issue(1, 1)
    issue(2, 2)

    def compute(ci, b):
        srow, drow, sem = bufs[b]
        pltpu.make_async_copy(table.at[pl.ds(0, E)], srow, sem).wait()
        pltpu.make_async_copy(table.at[pl.ds(0, E)], drow, sem).wait()
        off = ci * E

        def group(g, carry):
            def edge4(k4, out16):
                for u in range(4):
                    k = k4 * 4 + u
                    e = g * 16 + k
                    prods = []
                    for j in range(D // 32):
                        s = srow[e, pl.ds(j * 32, 32)]
                        t = drow[e, pl.ds(j * 32, 32)]
                        prods.append(s * t)
                    q01 = prods[0] + prods[1]
                    q23 = prods[2] + prods[3]
                    a, b2 = plsc.unpack(q01, format=plsc.PackFormat.INTERLEAVED)
                    c, d2 = plsc.unpack(q23, format=plsc.PackFormat.INTERLEAVED)
                    tot = jnp.sum((a + b2) + (c + d2))
                    out16 = jnp.where(lane == k, tot, out16)
                return out16

            out16 = lax.fori_loop(0, 4, edge4, jnp.zeros((16,), jnp.float32))
            obuf[pl.ds(off + g * 16, 16)] = out16
            return carry

        lax.fori_loop(0, G, group, 0)

    def quad(qi, carry):
        for b in range(4):
            ci = qi * 4 + b

            @pl.when(ci + 3 < NCH)
            def _():
                issue(ci + 3, (b + 3) % 4)

            @pl.when(ci < NCH)
            def _():
                compute(ci, b)
        return carry

    lax.fori_loop(0, (NCH + 3) // 4, quad, 0)
    pltpu.sync_copy(obuf.at[pl.ds(0, BPW)], o_hbm.at[pl.ds(base, BPW)])


def kernel(out, edge_label_index):
    edges = edge_label_index.astype(jnp.int32).reshape(-1)
    return _sc_dot(out.astype(jnp.bfloat16), edges)

# --- scband reference (transcript-rebuilt; emitter-appended) ---
"""Pipeline reference for scband-dot-product-predictor-73418170957965 (READ-ONLY COPY).

The authoritative reference and input builder live on the scoring server;
editing this copy changes nothing except your own understanding.
"""

import jax, jax.numpy as jnp
import numpy as np


def setup_inputs(seed: int = 0) -> dict:
    key = jax.random.key(seed)
    k1, k2 = jax.random.split(key)
    out = jax.random.normal(k1, (10000, 128), dtype=jnp.float32)
    edge_label_index = jax.random.randint(k2, (2, 320000), 0, 10000, dtype=jnp.int64)
    return {"out": out, "edge_label_index": edge_label_index}


def reference(out, edge_label_index):
    src = edge_label_index[0]
    dst = edge_label_index[1]
    src_feat = jnp.take(out, src, axis=0)
    dst_feat = jnp.take(out, dst, axis=0)
    return (src_feat * dst_feat).sum(axis=-1)

if __name__ == "__main__":
    import jax
    _d = setup_inputs()
    print(jax.jit(kernel)(*tuple(_d.values())))

</pallas_src>

<mosaic_0001>
#map = affine_map<(d0, d1) -> (0, 0)>
#map1 = affine_map<(d0, d1) -> (0)>
module attributes {stable_mosaic.version = 14 : i64} {
  func.func @_sc_dot(%arg0: i32, %arg1: i32, %arg2: memref<10000x128xbf16, #tpu.memory_space<hbm>>, %arg3: memref<640000xi32, #tpu.memory_space<hbm>>, %arg4: memref<320000xf32, #tpu.memory_space<hbm>>, %arg5: memref<10000xi32, #tpu.memory_space<vmem>>, %arg6: memref<10000xi32, #tpu.memory_space<vmem>>, %arg7: memref<10016xf32, #tpu.memory_space<vmem>>, %arg8: memref<80x128xbf16, #tpu.memory_space<vmem>>, %arg9: memref<80x128xbf16, #tpu.memory_space<vmem>>, %arg10: memref<80x128xbf16, #tpu.memory_space<vmem>>, %arg11: memref<80x128xbf16, #tpu.memory_space<vmem>>, %arg12: memref<80x128xbf16, #tpu.memory_space<vmem>>, %arg13: memref<80x128xbf16, #tpu.memory_space<vmem>>, %arg14: memref<80x128xbf16, #tpu.memory_space<vmem>>, %arg15: memref<80x128xbf16, #tpu.memory_space<vmem>>, %arg16: memref<10000x128xbf16, #tpu.memory_space<vmem_shared>>, %arg17: memref<!tpu.dma_semaphore, #tpu.memory_space<semaphore_mem>>, %arg18: memref<!tpu.dma_semaphore, #tpu.memory_space<semaphore_mem>>, %arg19: memref<!tpu.dma_semaphore, #tpu.memory_space<semaphore_mem>>, %arg20: memref<!tpu.dma_semaphore, #tpu.memory_space<semaphore_mem>>) attributes {dimension_semantics = [#tpu.dimension_semantics<core_parallel>, #tpu.dimension_semantics<subcore_parallel>], iteration_bounds = array<i64: 2, 16>, scalar_prefetch = 0 : i64, scratch_operands = 16 : i64, tpu.core_type = #tpu.core_type<sc_vector_subcore>, window_params = [{transform_indices = #map}, {transform_indices = #map1}, {transform_indices = #map1}]} {
    %mul3A = arith.constant 2 : i32
    %mul3A_0 = arith.muli %arg1, %mul3A : i32
    %add3A = arith.addi %mul3A_0, %arg0 : i32
    %mul3A_1 = arith.constant 10000 : i32
    %mul3A_2 = arith.muli %add3A, %mul3A_1 : i32
    %mul3A_3 = arith.constant 625 : i32
    %mul3A_4 = arith.muli %arg1, %mul3A_3 : i32
    %mul3A_5 = arith.constant 625 : i32
    %mul3A_6 = arith.muli %arg1, %mul3A_5 : i32
    "tpu.region"() ({
      %run_scoped3A = tpu.sem_alloc : memref<!tpu.dma_semaphore, #tpu.memory_space<semaphore_mem>>
      %dma_start3A_43 = arith.constant 0 : i32
      %dma_start3A_44 = tpu.memref_slice %arg16[%mul3A_6, %dma_start3A_43] : memref<10000x128xbf16, #tpu.memory_space<vmem_shared>> -> memref<625x128xbf16, #tpu.memory_space<vmem_shared>>
      %dma_start3A_45 = arith.constant 0 : i32
      %dma_start3A_46 = tpu.memref_slice %arg2[%mul3A_4, %dma_start3A_45] : memref<10000x128xbf16, #tpu.memory_space<hbm>> -> memref<625x128xbf16, #tpu.memory_space<hbm>>
      tpu.enqueue_dma source(%dma_start3A_46 : memref<625x128xbf16, #tpu.memory_space<hbm>>) target(%dma_start3A_44 : memref<625x128xbf16, #tpu.memory_space<vmem_shared>>) target_semaphore(%run_scoped3A : memref<!tpu.dma_semaphore, #tpu.memory_space<semaphore_mem>>)
      %dma_wait3A = arith.constant 0 : i32
      %dma_wait3A_47 = tpu.memref_slice %arg16[%mul3A_6, %dma_wait3A] : memref<10000x128xbf16, #tpu.memory_space<vmem_shared>> -> memref<625x128xbf16, #tpu.memory_space<vmem_shared>>
      %dma_wait3A_48 = arith.constant 0 : i32
      %dma_wait3A_49 = tpu.memref_slice %arg2[%mul3A_4, %dma_wait3A_48] : memref<10000x128xbf16, #tpu.memory_space<hbm>> -> memref<625x128xbf16, #tpu.memory_space<hbm>>
      tpu.wait_dma2 semaphore(%run_scoped3A : memref<!tpu.dma_semaphore, #tpu.memory_space<semaphore_mem>>) src(%dma_wait3A_49 : memref<625x128xbf16, #tpu.memory_space<hbm>>) dst(%dma_wait3A_47 : memref<625x128xbf16, #tpu.memory_space<vmem_shared>>)
      tpu.yield
    }) : () -> ()
    "tpu.region"() ({
      %run_scoped3A = tpu.sem_alloc : memref<!tpu.dma_semaphore, #tpu.memory_space<semaphore_mem>>
      %dma_start3A_43 = tpu.memref_slice %arg3[%mul3A_2] : memref<640000xi32, #tpu.memory_space<hbm>> -> memref<10000xi32, #tpu.memory_space<hbm>>
      %dma_start3A_44 = tpu.memref_slice %arg3[%mul3A_2] : memref<640000xi32, #tpu.memory_space<hbm>> -> memref<10000xi32, #tpu.memory_space<hbm>>
      tpu.enqueue_dma source(%dma_start3A_44 : memref<10000xi32, #tpu.memory_space<hbm>>) target(%arg5 : memref<10000xi32, #tpu.memory_space<vmem>>) target_semaphore(%run_scoped3A : memref<!tpu.dma_semaphore, #tpu.memory_space<semaphore_mem>>)
      %dma_wait3A = tpu.memref_slice %arg3[%mul3A_2] : memref<640000xi32, #tpu.memory_space<hbm>> -> memref<10000xi32, #tpu.memory_space<hbm>>
      %dma_wait3A_45 = tpu.memref_slice %arg3[%mul3A_2] : memref<640000xi32, #tpu.memory_space<hbm>> -> memref<10000xi32, #tpu.memory_space<hbm>>
      tpu.wait_dma2 semaphore(%run_scoped3A : memref<!tpu.dma_semaphore, #tpu.memory_space<semaphore_mem>>) src(%dma_wait3A_45 : memref<10000xi32, #tpu.memory_space<hbm>>) dst(%arg5 : memref<10000xi32, #tpu.memory_space<vmem>>)
      tpu.yield
    }) : () -> ()
    %add3A_7 = arith.constant 320000 : i32
    %add3A_8 = arith.addi %add3A_7, %mul3A_2 : i32
    "tpu.region"() ({
      %run_scoped3A = tpu.sem_alloc : memref<!tpu.dma_semaphore, #tpu.memory_space<semaphore_mem>>
      %dma_start3A_43 = tpu.memref_slice %arg3[%add3A_8] : memref<640000xi32, #tpu.memory_space<hbm>> -> memref<10000xi32, #tpu.memory_space<hbm>>
      %dma_start3A_44 = tpu.memref_slice %arg3[%add3A_8] : memref<640000xi32, #tpu.memory_space<hbm>> -> memref<10000xi32, #tpu.memory_space<hbm>>
      tpu.enqueue_dma source(%dma_start3A_44 : memref<10000xi32, #tpu.memory_space<hbm>>) target(%arg6 : memref<10000xi32, #tpu.memory_space<vmem>>) target_semaphore(%run_scoped3A : memref<!tpu.dma_semaphore, #tpu.memory_space<semaphore_mem>>)
      %dma_wait3A = tpu.memref_slice %arg3[%add3A_8] : memref<640000xi32, #tpu.memory_space<hbm>> -> memref<10000xi32, #tpu.memory_space<hbm>>
      %dma_wait3A_45 = tpu.memref_slice %arg3[%add3A_8] : memref<640000xi32, #tpu.memory_space<hbm>> -> memref<10000xi32, #tpu.memory_space<hbm>>
      tpu.wait_dma2 semaphore(%run_scoped3A : memref<!tpu.dma_semaphore, #tpu.memory_space<semaphore_mem>>) src(%dma_wait3A_45 : memref<10000xi32, #tpu.memory_space<hbm>>) dst(%arg6 : memref<10000xi32, #tpu.memory_space<vmem>>)
      tpu.yield
    }) : () -> ()
    %barrier3A = arith.constant 0 : index
    tpu.barrier barrier_id(%barrier3A)
    %iota3A = tpu.iota {dimensions = array<i32: 0>} : vector<16xi32>
    %dma_start3A = arith.constant 0 : i32
    %dma_start3A_9 = tpu.memref_slice %arg5[%dma_start3A] : memref<10000xi32, #tpu.memory_space<vmem>> -> memref<80xi32, #tpu.memory_space<vmem>>
    %dma_start3A_10 = arith.constant 0 : i32
    %dma_start3A_11 = arith.constant 0 : i32
    %dma_start3A_12 = tpu.memref_slice %arg16[%dma_start3A_10, %dma_start3A_11] : memref<10000x128xbf16, #tpu.memory_space<vmem_shared>> -> memref<10000x128xbf16, #tpu.memory_space<vmem_shared>>
    tpu.enqueue_indirect_dma source(%dma_start3A_12 : memref<10000x128xbf16, #tpu.memory_space<vmem_shared>>) target(%arg8 : memref<80x128xbf16, #tpu.memory_space<vmem>>) offsets(%dma_start3A_9 : memref<80xi32, #tpu.memory_space<vmem>>) semaphore(%arg17 : memref<!tpu.dma_semaphore, #tpu.memory_space<semaphore_mem>>)
    %dma_start3A_13 = arith.constant 0 : i32
    %dma_start3A_14 = tpu.memref_slice %arg6[%dma_start3A_13] : memref<10000xi32, #tpu.memory_space<vmem>> -> memref<80xi32, #tpu.memory_space<vmem>>
    %dma_start3A_15 = arith.constant 0 : i32
    %dma_start3A_16 = arith.constant 0 : i32
    %dma_start3A_17 = tpu.memref_slice %arg16[%dma_start3A_15, %dma_start3A_16] : memref<10000x128xbf16, #tpu.memory_space<vmem_shared>> -> memref<10000x128xbf16, #tpu.memory_space<vmem_shared>>
    tpu.enqueue_indirect_dma source(%dma_start3A_17 : memref<10000x128xbf16, #tpu.memory_space<vmem_shared>>) target(%arg9 : memref<80x128xbf16, #tpu.memory_space<vmem>>) offsets(%dma_start3A_14 : memref<80xi32, #tpu.memory_space<vmem>>) semaphore(%arg17 : memref<!tpu.dma_semaphore, #tpu.memory_space<semaphore_mem>>)
    %dma_start3A_18 = arith.constant 80 : i32
    %dma_start3A_19 = tpu.memref_slice %arg5[%dma_start3A_18] : memref<10000xi32, #tpu.memory_space<vmem>> -> memref<80xi32, #tpu.memory_space<vmem>>
    %dma_start3A_20 = arith.constant 0 : i32
    %dma_start3A_21 = arith.constant 0 : i32
    %dma_start3A_22 = tpu.memref_slice %arg16[%dma_start3A_20, %dma_start3A_21] : memref<10000x128xbf16, #tpu.memory_space<vmem_shared>> -> memref<10000x128xbf16, #tpu.memory_space<vmem_shared>>
    tpu.enqueue_indirect_dma source(%dma_start3A_22 : memref<10000x128xbf16, #tpu.memory_space<vmem_shared>>) target(%arg10 : memref<80x128xbf16, #tpu.memory_space<vmem>>) offsets(%dma_start3A_19 : memref<80xi32, #tpu.memory_space<vmem>>) semaphore(%arg18 : memref<!tpu.dma_semaphore, #tpu.memory_space<semaphore_mem>>)
    %dma_start3A_23 = arith.constant 80 : i32
    %dma_start3A_24 = tpu.memref_slice %arg6[%dma_start3A_23] : memref<10000xi32, #tpu.memory_space<vmem>> -> memref<80xi32, #tpu.memory_space<vmem>>
    %dma_start3A_25 = arith.constant 0 : i32
    %dma_start3A_26 = arith.constant 0 : i32
    %dma_start3A_27 = tpu.memref_slice %arg16[%dma_start3A_25, %dma_start3A_26] : memref<10000x128xbf16, #tpu.memory_space<vmem_shared>> -> memref<10000x128xbf16, #tpu.memory_space<vmem_shared>>
    tpu.enqueue_indirect_dma source(%dma_start3A_27 : memref<10000x128xbf16, #tpu.memory_space<vmem_shared>>) target(%arg11 : memref<80x128xbf16, #tpu.memory_space<vmem>>) offsets(%dma_start3A_24 : memref<80xi32, #tpu.memory_space<vmem>>) semaphore(%arg18 : memref<!tpu.dma_semaphore, #tpu.memory_space<semaphore_mem>>)
    %dma_start3A_28 = arith.constant 160 : i32
    %dma_start3A_29 = tpu.memref_slice %arg5[%dma_start3A_28] : memref<10000xi32, #tpu.memory_space<vmem>> -> memref<80xi32, #tpu.memory_space<vmem>>
    %dma_start3A_30 = arith.constant 0 : i32
    %dma_start3A_31 = arith.constant 0 : i32
    %dma_start3A_32 = tpu.memref_slice %arg16[%dma_start3A_30, %dma_start3A_31] : memref<10000x128xbf16, #tpu.memory_space<vmem_shared>> -> memref<10000x128xbf16, #tpu.memory_space<vmem_shared>>
    tpu.enqueue_indirect_dma source(%dma_start3A_32 : memref<10000x128xbf16, #tpu.memory_space<vmem_shared>>) target(%arg12 : memref<80x128xbf16, #tpu.memory_space<vmem>>) offsets(%dma_start3A_29 : memref<80xi32, #tpu.memory_space<vmem>>) semaphore(%arg19 : memref<!tpu.dma_semaphore, #tpu.memory_space<semaphore_mem>>)
    %dma_start3A_33 = arith.constant 160 : i32
    %dma_start3A_34 = tpu.memref_slice %arg6[%dma_start3A_33] : memref<10000xi32, #tpu.memory_space<vmem>> -> memref<80xi32, #tpu.memory_space<vmem>>
    %dma_start3A_35 = arith.constant 0 : i32
    %dma_start3A_36 = arith.constant 0 : i32
    %dma_start3A_37 = tpu.memref_slice %arg16[%dma_start3A_35, %dma_start3A_36] : memref<10000x128xbf16, #tpu.memory_space<vmem_shared>> -> memref<10000x128xbf16, #tpu.memory_space<vmem_shared>>
    tpu.enqueue_indirect_dma source(%dma_start3A_37 : memref<10000x128xbf16, #tpu.memory_space<vmem_shared>>) target(%arg13 : memref<80x128xbf16, #tpu.memory_space<vmem>>) offsets(%dma_start3A_34 : memref<80xi32, #tpu.memory_space<vmem>>) semaphore(%arg19 : memref<!tpu.dma_semaphore, #tpu.memory_space<semaphore_mem>>)
    %scan3A = arith.constant 0 : i32
    %scan3A_38 = arith.constant 0 : i32
    %scan3A_39 = arith.constant 32 : i32
    %scan3A_40 = arith.addi %scan3A_38, %scan3A_39 : i32
    %scan3A_41 = arith.constant 1 : i32
    scf.for %scan3A_43 = %scan3A_38 to %scan3A_40 step %scan3A_41  : i32 {
      %mul3A_44 = arith.constant 4 : i32
      %mul3A_45 = arith.muli %scan3A_43, %mul3A_44 : i32
      %add3A_46 = arith.constant 0 : i32
      %add3A_47 = arith.addi %mul3A_45, %add3A_46 : i32
      %add3A_48 = arith.constant 3 : i32
      %add3A_49 = arith.addi %add3A_47, %add3A_48 : i32
      %lt3A = arith.constant 125 : i32
      %lt3A_50 = arith.cmpi slt, %add3A_49, %lt3A : i32
      %convert_element_type3A = arith.extui %lt3A_50 : i1 to i32
      %cond3A = arith.constant 0 : i32
      %cond3A_51 = arith.cmpi ne, %convert_element_type3A, %cond3A : i32
      scf.if %cond3A_51 {
        %add3A_105 = arith.constant 3 : i32
        %add3A_106 = arith.addi %add3A_47, %add3A_105 : i32
        %mul3A_107 = arith.constant 80 : i32
        %mul3A_108 = arith.muli %add3A_106, %mul3A_107 : i32
        %dma_start3A_109 = tpu.memref_slice %arg5[%mul3A_108] : memref<10000xi32, #tpu.memory_space<vmem>> -> memref<80xi32, #tpu.memory_space<vmem>>
        %dma_start3A_110 = arith.constant 0 : i32
        %dma_start3A_111 = arith.constant 0 : i32
        %dma_start3A_112 = tpu.memref_slice %arg16[%dma_start3A_110, %dma_start3A_111] : memref<10000x128xbf16, #tpu.memory_space<vmem_shared>> -> memref<10000x128xbf16, #tpu.memory_space<vmem_shared>>
        tpu.enqueue_indirect_dma source(%dma_start3A_112 : memref<10000x128xbf16, #tpu.memory_space<vmem_shared>>) target(%arg14 : memref<80x128xbf16, #tpu.memory_space<vmem>>) offsets(%dma_start3A_109 : memref<80xi32, #tpu.memory_space<vmem>>) semaphore(%arg20 : memref<!tpu.dma_semaphore, #tpu.memory_space<semaphore_mem>>)
        %dma_start3A_113 = tpu.memref_slice %arg6[%mul3A_108] : memref<10000xi32, #tpu.memory_space<vmem>> -> memref<80xi32, #tpu.memory_space<vmem>>
        %dma_start3A_114 = arith.constant 0 : i32
        %dma_start3A_115 = arith.constant 0 : i32
        %dma_start3A_116 = tpu.memref_slice %arg16[%dma_start3A_114, %dma_start3A_115] : memref<10000x128xbf16, #tpu.memory_space<vmem_shared>> -> memref<10000x128xbf16, #tpu.memory_space<vmem_shared>>
        tpu.enqueue_indirect_dma source(%dma_start3A_116 : memref<10000x128xbf16, #tpu.memory_space<vmem_shared>>) target(%arg15 : memref<80x128xbf16, #tpu.memory_space<vmem>>) offsets(%dma_start3A_113 : memref<80xi32, #tpu.memory_space<vmem>>) semaphore(%arg20 : memref<!tpu.dma_semaphore, #tpu.memory_space<semaphore_mem>>)
      } else {
      }
      %lt3A_52 = arith.constant 125 : i32
      %lt3A_53 = arith.cmpi slt, %add3A_47, %lt3A_52 : i32
      %convert_element_type3A_54 = arith.extui %lt3A_53 : i1 to i32
      %cond3A_55 = arith.constant 0 : i32
      %cond3A_56 = arith.cmpi ne, %convert_element_type3A_54, %cond3A_55 : i32
      scf.if %cond3A_56 {
        %dma_wait3A = arith.constant 0 : i32
        %dma_wait3A_105 = arith.constant 0 : i32
        %dma_wait3A_106 = tpu.memref_slice %arg2[%dma_wait3A, %dma_wait3A_105] : memref<10000x128xbf16, #tpu.memory_space<hbm>> -> memref<80x128xbf16, #tpu.memory_space<hbm>>
        %dma_wait3A_107 = arith.constant 0 : i32
        %dma_wait3A_108 = arith.constant 0 : i32
        %dma_wait3A_109 = tpu.memref_slice %arg2[%dma_wait3A_107, %dma_wait3A_108] : memref<10000x128xbf16, #tpu.memory_space<hbm>> -> memref<80x128xbf16, #tpu.memory_space<hbm>>
        tpu.wait_dma2 semaphore(%arg17 : memref<!tpu.dma_semaphore, #tpu.memory_space<semaphore_mem>>) src(%dma_wait3A_109 : memref<80x128xbf16, #tpu.memory_space<hbm>>) dst(%arg8 : memref<80x128xbf16, #tpu.memory_space<vmem>>)
        %dma_wait3A_110 = arith.constant 0 : i32
        %dma_wait3A_111 = arith.constant 0 : i32
        %dma_wait3A_112 = tpu.memref_slice %arg2[%dma_wait3A_110, %dma_wait3A_111] : memref<10000x128xbf16, #tpu.memory_space<hbm>> -> memref<80x128xbf16, #tpu.memory_space<hbm>>
        %dma_wait3A_113 = arith.constant 0 : i32
        %dma_wait3A_114 = arith.constant 0 : i32
        %dma_wait3A_115 = tpu.memref_slice %arg2[%dma_wait3A_113, %dma_wait3A_114] : memref<10000x128xbf16, #tpu.memory_space<hbm>> -> memref<80x128xbf16, #tpu.memory_space<hbm>>
        tpu.wait_dma2 semaphore(%arg17 : memref<!tpu.dma_semaphore, #tpu.memory_space<semaphore_mem>>) src(%dma_wait3A_115 : memref<80x128xbf16, #tpu.memory_space<hbm>>) dst(%arg9 : memref<80x128xbf16, #tpu.memory_space<vmem>>)
        %mul3A_116 = arith.constant 80 : i32
        %mul3A_117 = arith.muli %add3A_47, %mul3A_116 : i32
        %scan3A_118 = arith.constant 0 : i32
        %scan3A_119 = arith.constant 0 : i32
        %scan3A_120 = arith.constant 5 : i32
        %scan3A_121 = arith.addi %scan3A_119, %scan3A_120 : i32
        %scan3A_122 = arith.constant 1 : i32
        scf.for %scan3A_124 = %scan3A_119 to %scan3A_121 step %scan3A_122  : i32 {
          %broadcast_in_dim3A = arith.constant 0.000000e+00 : f32
          %broadcast_in_dim3A_125 = vector.broadcast %broadcast_in_dim3A : f32 to vector<16xf32>
          %scan3A_126 = arith.constant 0 : i32
          %scan3A_127 = arith.constant 4 : i32
          %scan3A_128 = arith.addi %scan3A_126, %scan3A_127 : i32
          %scan3A_129 = arith.constant 1 : i32
          %scan3A_130 = scf.for %scan3A_136 = %scan3A_126 to %scan3A_128 step %scan3A_129 iter_args(%scan3A_137 = %broadcast_in_dim3A_125) -> (vector<16xf32>)  : i32 {
            %mul3A_138 = arith.constant 4 : i32
            %mul3A_139 = arith.muli %scan3A_136, %mul3A_138 : i32
            %add3A_140 = arith.constant 0 : i32
            %add3A_141 = arith.addi %mul3A_139, %add3A_140 : i32
            %mul3A_142 = arith.constant 16 : i32
            %mul3A_143 = arith.muli %scan3A_124, %mul3A_142 : i32
            %add3A_144 = arith.addi %mul3A_143, %add3A_141 : i32
            %get3A = arith.index_cast %add3A_144 : i32 to index
            %get3A_145 = arith.constant 0 : index
            %get3A_146 = tpu.vector_load %arg8[%get3A, %get3A_145] {strides = array<i32>} : memref<80x128xbf16, #tpu.memory_space<vmem>>, vector<32xbf16>,
            %get3A_147 = arith.index_cast %add3A_144 : i32 to index
            %get3A_148 = arith.constant 0 : index
            %get3A_149 = tpu.vector_load %arg9[%get3A_147, %get3A_148] {strides = array<i32>} : memref<80x128xbf16, #tpu.memory_space<vmem>>, vector<32xbf16>,
            %mul3A_150 = arith.mulf %get3A_146, %get3A_149 : vector<32xbf16>
            %get3A_151 = arith.index_cast %add3A_144 : i32 to index
            %get3A_152 = arith.constant 32 : index
            %get3A_153 = tpu.vector_load %arg8[%get3A_151, %get3A_152] {strides = array<i32>} : memref<80x128xbf16, #tpu.memory_space<vmem>>, vector<32xbf16>,
            %get3A_154 = arith.index_cast %add3A_144 : i32 to index
            %get3A_155 = arith.constant 32 : index
            %get3A_156 = tpu.vector_load %arg9[%get3A_154, %get3A_155] {strides = array<i32>} : memref<80x128xbf16, #tpu.memory_space<vmem>>, vector<32xbf16>,
            %mul3A_157 = arith.mulf %get3A_153, %get3A_156 : vector<32xbf16>
            %get3A_158 = arith.index_cast %add3A_144 : i32 to index
            %get3A_159 = arith.constant 64 : index
            %get3A_160 = tpu.vector_load %arg8[%get3A_158, %get3A_159] {strides = array<i32>} : memref<80x128xbf16, #tpu.memory_space<vmem>>, vector<32xbf16>,
            %get3A_161 = arith.index_cast %add3A_144 : i32 to index
            %get3A_162 = arith.constant 64 : index
            %get3A_163 = tpu.vector_load %arg9[%get3A_161, %get3A_162] {strides = array<i32>} : memref<80x128xbf16, #tpu.memory_space<vmem>>, vector<32xbf16>,
            %mul3A_164 = arith.mulf %get3A_160, %get3A_163 : vector<32xbf16>
            %get3A_165 = arith.index_cast %add3A_144 : i32 to index
            %get3A_166 = arith.constant 96 : index
            %get3A_167 = tpu.vector_load %arg8[%get3A_165, %get3A_166] {strides = array<i32>} : memref<80x128xbf16, #tpu.memory_space<vmem>>, vector<32xbf16>,
            %get3A_168 = arith.index_cast %add3A_144 : i32 to index
            %get3A_169 = arith.constant 96 : index
            %get3A_170 = tpu.vector_load %arg9[%get3A_168, %get3A_169] {strides = array<i32>} : memref<80x128xbf16, #tpu.memory_space<vmem>>, vector<32xbf16>,
            %mul3A_171 = arith.mulf %get3A_167, %get3A_170 : vector<32xbf16>
            %add3A_172 = arith.addf %mul3A_150, %mul3A_157 : vector<32xbf16>
            %add3A_173 = arith.addf %mul3A_164, %mul3A_171 : vector<32xbf16>
            %unpack3A = tpu.unpack_subelements %add3A_172, 0 {pack_format = #tpu.pack_format<interleaved>} : vector<32xbf16> -> vector<16xf32>
            %unpack3A_174 = tpu.unpack_subelements %add3A_172, 1 {pack_format = #tpu.pack_format<interleaved>} : vector<32xbf16> -> vector<16xf32>
            %unpack3A_175 = tpu.unpack_subelements %add3A_173, 0 {pack_format = #tpu.pack_format<interleaved>} : vector<32xbf16> -> vector<16xf32>
            %unpack3A_176 = tpu.unpack_subelements %add3A_173, 1 {pack_format = #tpu.pack_format<interleaved>} : vector<32xbf16> -> vector<16xf32>
            %add3A_177 = arith.addf %unpack3A, %unpack3A_174 : vector<16xf32>
            %add3A_178 = arith.addf %unpack3A_175, %unpack3A_176 : vector<16xf32>
            %add3A_179 = arith.addf %add3A_177, %add3A_178 : vector<16xf32>
            %reduce_sum3A = arith.constant true
            %reduce_sum3A_180 = vector.broadcast %reduce_sum3A : i1 to vector<16xi1>
            %reduce_sum3A_181 = tpu.scan <sum>, %add3A_179 masked %reduce_sum3A_180 : vector<16xf32>, vector<16xi1> -> vector<16xf32>
            %reduce_sum3A_182 = vector.extract %reduce_sum3A_181[15] : f32 from vector<16xf32>
            %eq3A = vector.broadcast %add3A_141 : i32 to vector<16xi32>
            %eq3A_183 = arith.cmpi eq, %iota3A, %eq3A : vector<16xi32>
            %broadcast_in_dim3A_184 = vector.broadcast %reduce_sum3A_182 : f32 to vector<16xf32>
            %select_n3A = arith.select %eq3A_183, %broadcast_in_dim3A_184, %scan3A_137 : vector<16xi1>, vector<16xf32>
            %mul3A_185 = arith.constant 4 : i32
            %mul3A_186 = arith.muli %scan3A_136, %mul3A_185 : i32
            %add3A_187 = arith.constant 1 : i32
            %add3A_188 = arith.addi %mul3A_186, %add3A_187 : i32
            %mul3A_189 = arith.constant 16 : i32
            %mul3A_190 = arith.muli %scan3A_124, %mul3A_189 : i32
            %add3A_191 = arith.addi %mul3A_190, %add3A_188 : i32
            %get3A_192 = arith.index_cast %add3A_191 : i32 to index
            %get3A_193 = arith.constant 0 : index
            %get3A_194 = tpu.vector_load %arg8[%get3A_192, %get3A_193] {strides = array<i32>} : memref<80x128xbf16, #tpu.memory_space<vmem>>, vector<32xbf16>,
            %get3A_195 = arith.index_cast %add3A_191 : i32 to index
            %get3A_196 = arith.constant 0 : index
            %get3A_197 = tpu.vector_load %arg9[%get3A_195, %get3A_196] {strides = array<i32>} : memref<80x128xbf16, #tpu.memory_space<vmem>>, vector<32xbf16>,
            %mul3A_198 = arith.mulf %get3A_194, %get3A_197 : vector<32xbf16>
            %get3A_199 = arith.index_cast %add3A_191 : i32 to index
            %get3A_200 = arith.constant 32 : index
            %get3A_201 = tpu.vector_load %arg8[%get3A_199, %get3A_200] {strides = array<i32>} : memref<80x128xbf16, #tpu.memory_space<vmem>>, vector<32xbf16>,
            %get3A_202 = arith.index_cast %add3A_191 : i32 to index
            %get3A_203 = arith.constant 32 : index
            %get3A_204 = tpu.vector_load %arg9[%get3A_202, %get3A_203] {strides = array<i32>} : memref<80x128xbf16, #tpu.memory_space<vmem>>, vector<32xbf16>,
            %mul3A_205 = arith.mulf %get3A_201, %get3A_204 : vector<32xbf16>
            %get3A_206 = arith.index_cast %add3A_191 : i32 to index
            %get3A_207 = arith.constant 64 : index
            %get3A_208 = tpu.vector_load %arg8[%get3A_206, %get3A_207] {strides = array<i32>} : memref<80x128xbf16, #tpu.memory_space<vmem>>, vector<32xbf16>,
            %get3A_209 = arith.index_cast %add3A_191 : i32 to index
            %get3A_210 = arith.constant 64 : index
            %get3A_211 = tpu.vector_load %arg9[%get3A_209, %get3A_210] {strides = array<i32>} : memref<80x128xbf16, #tpu.memory_space<vmem>>, vector<32xbf16>,
            %mul3A_212 = arith.mulf %get3A_208, %get3A_211 : vector<32xbf16>
            %get3A_213 = arith.index_cast %add3A_191 : i32 to index
            %get3A_214 = arith.constant 96 : index
            %get3A_215 = tpu.vector_load %arg8[%get3A_213, %get3A_214] {strides = array<i32>} : memref<80x128xbf16, #tpu.memory_space<vmem>>, vector<32xbf16>,
            %get3A_216 = arith.index_cast %add3A_191 : i32 to index
            %get3A_217 = arith.constant 96 : index
            %get3A_218 = tpu.vector_load %arg9[%get3A_216, %get3A_217] {strides = array<i32>} : memref<80x128xbf16, #tpu.memory_space<vmem>>, vector<32xbf16>,
            %mul3A_219 = arith.mulf %get3A_215, %get3A_218 : vector<32xbf16>
            %add3A_220 = arith.addf %mul3A_198, %mul3A_205 : vector<32xbf16>
            %add3A_221 = arith.addf %mul3A_212, %mul3A_219 : vector<32xbf16>
            %unpack3A_222 = tpu.unpack_subelements %add3A_220, 0 {pack_format = #tpu.pack_format<interleaved>} : vector<32xbf16> -> vector<16xf32>
            %unpack3A_223 = tpu.unpack_subelements %add3A_220, 1 {pack_format = #tpu.pack_format<interleaved>} : vector<32xbf16> -> vector<16xf32>
            %unpack3A_224 = tpu.unpack_subelements %add3A_221, 0 {pack_format = #tpu.pack_format<interleaved>} : vector<32xbf16> -> vector<16xf32>
            %unpack3A_225 = tpu.unpack_subelements %add3A_221, 1 {pack_format = #tpu.pack_format<interleaved>} : vector<32xbf16> -> vector<16xf32>
            %add3A_226 = arith.addf %unpack3A_222, %unpack3A_223 : vector<16xf32>
            %add3A_227 = arith.addf %unpack3A_224, %unpack3A_225 : vector<16xf32>
            %add3A_228 = arith.addf %add3A_226, %add3A_227 : vector<16xf32>
            %reduce_sum3A_229 = arith.constant true
            %reduce_sum3A_230 = vector.broadcast %reduce_sum3A_229 : i1 to vector<16xi1>
            %reduce_sum3A_231 = tpu.scan <sum>, %add3A_228 masked %reduce_sum3A_230 : vector<16xf32>, vector<16xi1> -> vector<16xf32>
            %reduce_sum3A_232 = vector.extract %reduce_sum3A_231[15] : f32 from vector<16xf32>
            %eq3A_233 = vector.broadcast %add3A_188 : i32 to vector<16xi32>
            %eq3A_234 = arith.cmpi eq, %iota3A, %eq3A_233 : vector<16xi32>
            %broadcast_in_dim3A_235 = vector.broadcast %reduce_sum3A_232 : f32 to vector<16xf32>
            %select_n3A_236 = arith.select %eq3A_234, %broadcast_in_dim3A_235, %select_n3A : vector<16xi1>, vector<16xf32>
            %mul3A_237 = arith.constant 4 : i32
            %mul3A_238 = arith.muli %scan3A_136, %mul3A_237 : i32
            %add3A_239 = arith.constant 2 : i32
            %add3A_240 = arith.addi %mul3A_238, %add3A_239 : i32
            %mul3A_241 = arith.constant 16 : i32
            %mul3A_242 = arith.muli %scan3A_124, %mul3A_241 : i32
            %add3A_243 = arith.addi %mul3A_242, %add3A_240 : i32
            %get3A_244 = arith.index_cast %add3A_243 : i32 to index
            %get3A_245 = arith.constant 0 : index
            %get3A_246 = tpu.vector_load %arg8[%get3A_244, %get3A_245] {strides = array<i32>} : memref<80x128xbf16, #tpu.memory_space<vmem>>, vector<32xbf16>,
            %get3A_247 = arith.index_cast %add3A_243 : i32 to index
            %get3A_248 = arith.constant 0 : index
            %get3A_249 = tpu.vector_load %arg9[%get3A_247, %get3A_248] {strides = array<i32>} : memref<80x128xbf16, #tpu.memory_space<vmem>>, vector<32xbf16>,
            %mul3A_250 = arith.mulf %get3A_246, %get3A_249 : vector<32xbf16>
            %get3A_251 = arith.index_cast %add3A_243 : i32 to index
            %get3A_252 = arith.constant 32 : index
            %get3A_253 = tpu.vector_load %arg8[%get3A_251, %get3A_252] {strides = array<i32>} : memref<80x128xbf16, #tpu.memory_space<vmem>>, vector<32xbf16>,
            %get3A_254 = arith.index_cast %add3A_243 : i32 to index
            %get3A_255 = arith.constant 32 : index
            %get3A_256 = tpu.vector_load %arg9[%get3A_254, %get3A_255] {strides = array<i32>} : memref<80x128xbf16, #tpu.memory_space<vmem>>, vector<32xbf16>,
            %mul3A_257 = arith.mulf %get3A_253, %get3A_256 : vector<32xbf16>
            %get3A_258 = arith.index_cast %add3A_243 : i32 to index
            %get3A_259 = arith.constant 64 : index
            %get3A_260 = tpu.vector_load %arg8[%get3A_258, %get3A_259] {strides = array<i32>} : memref<80x128xbf16, #tpu.memory_space<vmem>>, vector<32xbf16>,
            %get3A_261 = arith.index_cast %add3A_243 : i32 to index
            %get3A_262 = arith.constant 64 : index
            %get3A_263 = tpu.vector_load %arg9[%get3A_261, %get3A_262] {strides = array<i32>} : memref<80x128xbf16, #tpu.memory_space<vmem>>, vector<32xbf16>,
            %mul3A_264 = arith.mulf %get3A_260, %get3A_263 : vector<32xbf16>
            %get3A_265 = arith.index_cast %add3A_243 : i32 to index
            %get3A_266 = arith.constant 96 : index
            %get3A_267 = tpu.vector_load %arg8[%get3A_265, %get3A_266] {strides = array<i32>} : memref<80x128xbf16, #tpu.memory_space<vmem>>, vector<32xbf16>,
            %get3A_268 = arith.index_cast %add3A_243 : i32 to index
            %get3A_269 = arith.constant 96 : index
            %get3A_270 = tpu.vector_load %arg9[%get3A_268, %get3A_269] {strides = array<i32>} : memref<80x128xbf16, #tpu.memory_space<vmem>>, vector<32xbf16>,
            %mul3A_271 = arith.mulf %get3A_267, %get3A_270 : vector<32xbf16>
            %add3A_272 = arith.addf %mul3A_250, %mul3A_257 : vector<32xbf16>
            %add3A_273 = arith.addf %mul3A_264, %mul3A_271 : vector<32xbf16>
            %unpack3A_274 = tpu.unpack_subelements %add3A_272, 0 {pack_format = #tpu.pack_format<interleaved>} : vector<32xbf16> -> vector<16xf32>
            %unpack3A_275 = tpu.unpack_subelements %add3A_272, 1 {pack_format = #tpu.pack_format<interleaved>} : vector<32xbf16> -> vector<16xf32>
            %unpack3A_276 = tpu.unpack_subelements %add3A_273, 0 {pack_format = #tpu.pack_format<interleaved>} : vector<32xbf16> -> vector<16xf32>
            %unpack3A_277 = tpu.unpack_subelements %add3A_273, 1 {pack_format = #tpu.pack_format<interleaved>} : vector<32xbf16> -> vector<16xf32>
            %add3A_278 = arith.addf %unpack3A_274, %unpack3A_275 : vector<16xf32>
            %add3A_279 = arith.addf %unpack3A_276, %unpack3A_277 : vector<16xf32>
            %add3A_280 = arith.addf %add3A_278, %add3A_279 : vector<16xf32>
            %reduce_sum3A_281 = arith.constant true
            %reduce_sum3A_282 = vector.broadcast %reduce_sum3A_281 : i1 to vector<16xi1>
            %reduce_sum3A_283 = tpu.scan <sum>, %add3A_280 masked %reduce_sum3A_282 : vector<16xf32>, vector<16xi1> -> vector<16xf32>
            %reduce_sum3A_284 = vector.extract %reduce_sum3A_283[15] : f32 from vector<16xf32>
            %eq3A_285 = vector.broadcast %add3A_240 : i32 to vector<16xi32>
            %eq3A_286 = arith.cmpi eq, %iota3A, %eq3A_285 : vector<16xi32>
            %broadcast_in_dim3A_287 = vector.broadcast %reduce_sum3A_284 : f32 to vector<16xf32>
            %select_n3A_288 = arith.select %eq3A_286, %broadcast_in_dim3A_287, %select_n3A_236 : vector<16xi1>, vector<16xf32>
            %mul3A_289 = arith.constant 4 : i32
            %mul3A_290 = arith.muli %scan3A_136, %mul3A_289 : i32
            %add3A_291 = arith.constant 3 : i32
            %add3A_292 = arith.addi %mul3A_290, %add3A_291 : i32
            %mul3A_293 = arith.constant 16 : i32
            %mul3A_294 = arith.muli %scan3A_124, %mul3A_293 : i32
            %add3A_295 = arith.addi %mul3A_294, %add3A_292 : i32
            %get3A_296 = arith.index_cast %add3A_295 : i32 to index
            %get3A_297 = arith.constant 0 : index
            %get3A_298 = tpu.vector_load %arg8[%get3A_296, %get3A_297] {strides = array<i32>} : memref<80x128xbf16, #tpu.memory_space<vmem>>, vector<32xbf16>,
            %get3A_299 = arith.index_cast %add3A_295 : i32 to index
            %get3A_300 = arith.constant 0 : index
            %get3A_301 = tpu.vector_load %arg9[%get3A_299, %get3A_300] {strides = array<i32>} : memref<80x128xbf16, #tpu.memory_space<vmem>>, vector<32xbf16>,
            %mul3A_302 = arith.mulf %get3A_298, %get3A_301 : vector<32xbf16>
            %get3A_303 = arith.index_cast %add3A_295 : i32 to index
            %get3A_304 = arith.constant 32 : index
            %get3A_305 = tpu.vector_load %arg8[%get3A_303, %get3A_304] {strides = array<i32>} : memref<80x128xbf16, #tpu.memory_space<vmem>>, vector<32xbf16>,
            %get3A_306 = arith.index_cast %add3A_295 : i32 to index
            %get3A_307 = arith.constant 32 : index
            %get3A_308 = tpu.vector_load %arg9[%get3A_306, %get3A_307] {strides = array<i32>} : memref<80x128xbf16, #tpu.memory_space<vmem>>, vector<32xbf16>,
            %mul3A_309 = arith.mulf %get3A_305, %get3A_308 : vector<32xbf16>
            %get3A_310 = arith.index_cast %add3A_295 : i32 to index
            %get3A_311 = arith.constant 64 : index
            %get3A_312 = tpu.vector_load %arg8[%get3A_310, %get3A_311] {strides = array<i32>} : memref<80x128xbf16, #tpu.memory_space<vmem>>, vector<32xbf16>,
            %get3A_313 = arith.index_cast %add3A_295 : i32 to index
            %get3A_314 = arith.constant 64 : index
            %get3A_315 = tpu.vector_load %arg9[%get3A_313, %get3A_314] {strides = array<i32>} : memref<80x128xbf16, #tpu.memory_space<vmem>>, vector<32xbf16>,
            %mul3A_316 = arith.mulf %get3A_312, %get3A_315 : vector<32xbf16>
            %get3A_317 = arith.index_cast %add3A_295 : i32 to index
            %get3A_318 = arith.constant 96 : index
            %get3A_319 = tpu.vector_load %arg8[%get3A_317, %get3A_318] {strides = array<i32>} : memref<80x128xbf16, #tpu.memory_space<vmem>>, vector<32xbf16>,
            %get3A_320 = arith.index_cast %add3A_295 : i32 to index
            %get3A_321 = arith.constant 96 : index
            %get3A_322 = tpu.vector_load %arg9[%get3A_320, %get3A_321] {strides = array<i32>} : memref<80x128xbf16, #tpu.memory_space<vmem>>, vector<32xbf16>,
            %mul3A_323 = arith.mulf %get3A_319, %get3A_322 : vector<32xbf16>
            %add3A_324 = arith.addf %mul3A_302, %mul3A_309 : vector<32xbf16>
            %add3A_325 = arith.addf %mul3A_316, %mul3A_323 : vector<32xbf16>
            %unpack3A_326 = tpu.unpack_subelements %add3A_324, 0 {pack_format = #tpu.pack_format<interleaved>} : vector<32xbf16> -> vector<16xf32>
            %unpack3A_327 = tpu.unpack_subelements %add3A_324, 1 {pack_format = #tpu.pack_format<interleaved>} : vector<32xbf16> -> vector<16xf32>
            %unpack3A_328 = tpu.unpack_subelements %add3A_325, 0 {pack_format = #tpu.pack_format<interleaved>} : vector<32xbf16> -> vector<16xf32>
            %unpack3A_329 = tpu.unpack_subelements %add3A_325, 1 {pack_format = #tpu.pack_format<interleaved>} : vector<32xbf16> -> vector<16xf32>
            %add3A_330 = arith.addf %unpack3A_326, %unpack3A_327 : vector<16xf32>
            %add3A_331 = arith.addf %unpack3A_328, %unpack3A_329 : vector<16xf32>
            %add3A_332 = arith.addf %add3A_330, %add3A_331 : vector<16xf32>
            %reduce_sum3A_333 = arith.constant true
            %reduce_sum3A_334 = vector.broadcast %reduce_sum3A_333 : i1 to vector<16xi1>
            %reduce_sum3A_335 = tpu.scan <sum>, %add3A_332 masked %reduce_sum3A_334 : vector<16xf32>, vector<16xi1> -> vector<16xf32>
            %reduce_sum3A_336 = vector.extract %reduce_sum3A_335[15] : f32 from vector<16xf32>
            %eq3A_337 = vector.broadcast %add3A_292 : i32 to vector<16xi32>
            %eq3A_338 = arith.cmpi eq, %iota3A, %eq3A_337 : vector<16xi32>
            %broadcast_in_dim3A_339 = vector.broadcast %reduce_sum3A_336 : f32 to vector<16xf32>
            %select_n3A_340 = arith.select %eq3A_338, %broadcast_in_dim3A_339, %select_n3A_288 : vector<16xi1>, vector<16xf32>
            scf.yield %select_n3A_340 : vector<16xf32>
          }
          %scan3A_131 = arith.constant 4 : i32
          %mul3A_132 = arith.constant 16 : i32
          %mul3A_133 = arith.muli %scan3A_124, %mul3A_132 : i32
          %add3A_134 = arith.addi %mul3A_117, %mul3A_133 : i32
          %swap3A = arith.index_cast %add3A_134 : i32 to index
          %swap3A_135 = tpu.vector_load %arg7[%swap3A] {strides = array<i32>} : memref<10016xf32, #tpu.memory_space<vmem>>, vector<16xf32>,
          tpu.vector_store %arg7[%swap3A], %scan3A_130 {strides = array<i32>} : memref<10016xf32, #tpu.memory_space<vmem>>, vector<16xf32>,
        }
        %scan3A_123 = arith.constant 5 : i32
      } else {
      }
      %mul3A_57 = arith.constant 4 : i32
      %mul3A_58 = arith.muli %scan3A_43, %mul3A_57 : i32
      %add3A_59 = arith.constant 1 : i32
      %add3A_60 = arith.addi %mul3A_58, %add3A_59 : i32
      %add3A_61 = arith.constant 3 : i32
      %add3A_62 = arith.addi %add3A_60, %add3A_61 : i32
      %lt3A_63 = arith.constant 125 : i32
      %lt3A_64 = arith.cmpi slt, %add3A_62, %lt3A_63 : i32
      %convert_element_type3A_65 = arith.extui %lt3A_64 : i1 to i32
      %cond3A_66 = arith.constant 0 : i32
      %cond3A_67 = arith.cmpi ne, %convert_element_type3A_65, %cond3A_66 : i32
      scf.if %cond3A_67 {
        %add3A_105 = arith.constant 3 : i32
        %add3A_106 = arith.addi %add3A_60, %add3A_105 : i32
        %mul3A_107 = arith.constant 80 : i32
        %mul3A_108 = arith.muli %add3A_106, %mul3A_107 : i32
        %dma_start3A_109 = tpu.memref_slice %arg5[%mul3A_108] : memref<10000xi32, #tpu.memory_space<vmem>> -> memref<80xi32, #tpu.memory_space<vmem>>
        %dma_start3A_110 = arith.constant 0 : i32
        %dma_start3A_111 = arith.constant 0 : i32
        %dma_start3A_112 = tpu.memref_slice %arg16[%dma_start3A_110, %dma_start3A_111] : memref<10000x128xbf16, #tpu.memory_space<vmem_shared>> -> memref<10000x128xbf16, #tpu.memory_space<vmem_shared>>
        tpu.enqueue_indirect_dma source(%dma_start3A_112 : memref<10000x128xbf16, #tpu.memory_space<vmem_shared>>) target(%arg8 : memref<80x128xbf16, #tpu.memory_space<vmem>>) offsets(%dma_start3A_109 : memref<80xi32, #tpu.memory_space<vmem>>) semaphore(%arg17 : memref<!tpu.dma_semaphore, #tpu.memory_space<semaphore_mem>>)
        %dma_start3A_113 = tpu.memref_slice %arg6[%mul3A_108] : memref<10000xi32, #tpu.memory_space<vmem>> -> memref<80xi32, #tpu.memory_space<vmem>>
        %dma_start3A_114 = arith.constant 0 : i32
        %dma_start3A_115 = arith.constant 0 : i32
        %dma_start3A_116 = tpu.memref_slice %arg16[%dma_start3A_114, %dma_start3A_115] : memref<10000x128xbf16, #tpu.memory_space<vmem_shared>> -> memref<10000x128xbf16, #tpu.memory_space<vmem_shared>>
        tpu.enqueue_indirect_dma source(%dma_start3A_116 : memref<10000x128xbf16, #tpu.memory_space<vmem_shared>>) target(%arg9 : memref<80x128xbf16, #tpu.memory_space<vmem>>) offsets(%dma_start3A_113 : memref<80xi32, #tpu.memory_space<vmem>>) semaphore(%arg17 : memref<!tpu.dma_semaphore, #tpu.memory_space<semaphore_mem>>)
      } else {
      }
      %lt3A_68 = arith.constant 125 : i32
      %lt3A_69 = arith.cmpi slt, %add3A_60, %lt3A_68 : i32
      %convert_element_type3A_70 = arith.extui %lt3A_69 : i1 to i32
      %cond3A_71 = arith.constant 0 : i32
      %cond3A_72 = arith.cmpi ne, %convert_element_type3A_70, %cond3A_71 : i32
      scf.if %cond3A_72 {
        %dma_wait3A = arith.constant 0 : i32
        %dma_wait3A_105 = arith.constant 0 : i32
        %dma_wait3A_106 = tpu.memref_slice %arg2[%dma_wait3A, %dma_wait3A_105] : memref<10000x128xbf16, #tpu.memory_space<hbm>> -> memref<80x128xbf16, #tpu.memory_space<hbm>>
        %dma_wait3A_107 = arith.constant 0 : i32
        %dma_wait3A_108 = arith.constant 0 : i32
        %dma_wait3A_109 = tpu.memref_slice %arg2[%dma_wait3A_107, %dma_wait3A_108] : memref<10000x128xbf16, #tpu.memory_space<hbm>> -> memref<80x128xbf16, #tpu.memory_space<hbm>>
        tpu.wait_dma2 semaphore(%arg18 : memref<!tpu.dma_semaphore, #tpu.memory_space<semaphore_mem>>) src(%dma_wait3A_109 : memref<80x128xbf16, #tpu.memory_space<hbm>>) dst(%arg10 : memref<80x128xbf16, #tpu.memory_space<vmem>>)
        %dma_wait3A_110 = arith.constant 0 : i32
        %dma_wait3A_111 = arith.constant 0 : i32
        %dma_wait3A_112 = tpu.memref_slice %arg2[%dma_wait3A_110, %dma_wait3A_111] : memref<10000x128xbf16, #tpu.memory_space<hbm>> -> memref<80x128xbf16, #tpu.memory_space<hbm>>
        %dma_wait3A_113 = arith.constant 0 : i32
        %dma_wait3A_114 = arith.constant 0 : i32
        %dma_wait3A_115 = tpu.memref_slice %arg2[%dma_wait3A_113, %dma_wait3A_114] : memref<10000x128xbf16, #tpu.memory_space<hbm>> -> memref<80x128xbf16, #tpu.memory_space<hbm>>
        tpu.wait_dma2 semaphore(%arg18 : memref<!tpu.dma_semaphore, #tpu.memory_space<semaphore_mem>>) src(%dma_wait3A_115 : memref<80x128xbf16, #tpu.memory_space<hbm>>) dst(%arg11 : memref<80x128xbf16, #tpu.memory_space<vmem>>)
        %mul3A_116 = arith.constant 80 : i32
        %mul3A_117 = arith.muli %add3A_60, %mul3A_116 : i32
        %scan3A_118 = arith.constant 0 : i32
        %scan3A_119 = arith.constant 0 : i32
        %scan3A_120 = arith.constant 5 : i32
        %scan3A_121 = arith.addi %scan3A_119, %scan3A_120 : i32
        %scan3A_122 = arith.constant 1 : i32
        scf.for %scan3A_124 = %scan3A_119 to %scan3A_121 step %scan3A_122  : i32 {
          %broadcast_in_dim3A = arith.constant 0.000000e+00 : f32
          %broadcast_in_dim3A_125 = vector.broadcast %broadcast_in_dim3A : f32 to vector<16xf32>
          %scan3A_126 = arith.constant 0 : i32
          %scan3A_127 = arith.constant 4 : i32
          %scan3A_128 = arith.addi %scan3A_126, %scan3A_127 : i32
          %scan3A_129 = arith.constant 1 : i32
          %scan3A_130 = scf.for %scan3A_136 = %scan3A_126 to %scan3A_128 step %scan3A_129 iter_args(%scan3A_137 = %broadcast_in_dim3A_125) -> (vector<16xf32>)  : i32 {
            %mul3A_138 = arith.constant 4 : i32
            %mul3A_139 = arith.muli %scan3A_136, %mul3A_138 : i32
            %add3A_140 = arith.constant 0 : i32
            %add3A_141 = arith.addi %mul3A_139, %add3A_140 : i32
            %mul3A_142 = arith.constant 16 : i32
            %mul3A_143 = arith.muli %scan3A_124, %mul3A_142 : i32
            %add3A_144 = arith.addi %mul3A_143, %add3A_141 : i32
            %get3A = arith.index_cast %add3A_144 : i32 to index
            %get3A_145 = arith.constant 0 : index
            %get3A_146 = tpu.vector_load %arg10[%get3A, %get3A_145] {strides = array<i32>} : memref<80x128xbf16, #tpu.memory_space<vmem>>, vector<32xbf16>,
            %get3A_147 = arith.index_cast %add3A_144 : i32 to index
            %get3A_148 = arith.constant 0 : index
            %get3A_149 = tpu.vector_load %arg11[%get3A_147, %get3A_148] {strides = array<i32>} : memref<80x128xbf16, #tpu.memory_space<vmem>>, vector<32xbf16>,
            %mul3A_150 = arith.mulf %get3A_146, %get3A_149 : vector<32xbf16>
            %get3A_151 = arith.index_cast %add3A_144 : i32 to index
            %get3A_152 = arith.constant 32 : index
            %get3A_153 = tpu.vector_load %arg10[%get3A_151, %get3A_152] {strides = array<i32>} : memref<80x128xbf16, #tpu.memory_space<vmem>>, vector<32xbf16>,
            %get3A_154 = arith.index_cast %add3A_144 : i32 to index
            %get3A_155 = arith.constant 32 : index
            %get3A_156 = tpu.vector_load %arg11[%get3A_154, %get3A_155] {strides = array<i32>} : memref<80x128xbf16, #tpu.memory_space<vmem>>, vector<32xbf16>,
            %mul3A_157 = arith.mulf %get3A_153, %get3A_156 : vector<32xbf16>
            %get3A_158 = arith.index_cast %add3A_144 : i32 to index
            %get3A_159 = arith.constant 64 : index
            %get3A_160 = tpu.vector_load %arg10[%get3A_158, %get3A_159] {strides = array<i32>} : memref<80x128xbf16, #tpu.memory_space<vmem>>, vector<32xbf16>,
            %get3A_161 = arith.index_cast %add3A_144 : i32 to index
            %get3A_162 = arith.constant 64 : index
            %get3A_163 = tpu.vector_load %arg11[%get3A_161, %get3A_162] {strides = array<i32>} : memref<80x128xbf16, #tpu.memory_space<vmem>>, vector<32xbf16>,
            %mul3A_164 = arith.mulf %get3A_160, %get3A_163 : vector<32xbf16>
            %get3A_165 = arith.index_cast %add3A_144 : i32 to index
            %get3A_166 = arith.constant 96 : index
            %get3A_167 = tpu.vector_load %arg10[%get3A_165, %get3A_166] {strides = array<i32>} : memref<80x128xbf16, #tpu.memory_space<vmem>>, vector<32xbf16>,
            %get3A_168 = arith.index_cast %add3A_144 : i32 to index
            %get3A_169 = arith.constant 96 : index
            %get3A_170 = tpu.vector_load %arg11[%get3A_168, %get3A_169] {strides = array<i32>} : memref<80x128xbf16, #tpu.memory_space<vmem>>, vector<32xbf16>,
            %mul3A_171 = arith.mulf %get3A_167, %get3A_170 : vector<32xbf16>
            %add3A_172 = arith.addf %mul3A_150, %mul3A_157 : vector<32xbf16>
            %add3A_173 = arith.addf %mul3A_164, %mul3A_171 : vector<32xbf16>
            %unpack3A = tpu.unpack_subelements %add3A_172, 0 {pack_format = #tpu.pack_format<interleaved>} : vector<32xbf16> -> vector<16xf32>
            %unpack3A_174 = tpu.unpack_subelements %add3A_172, 1 {pack_format = #tpu.pack_format<interleaved>} : vector<32xbf16> -> vector<16xf32>
            %unpack3A_175 = tpu.unpack_subelements %add3A_173, 0 {pack_format = #tpu.pack_format<interleaved>} : vector<32xbf16> -> vector<16xf32>
            %unpack3A_176 = tpu.unpack_subelements %add3A_173, 1 {pack_format = #tpu.pack_format<interleaved>} : vector<32xbf16> -> vector<16xf32>
            %add3A_177 = arith.addf %unpack3A, %unpack3A_174 : vector<16xf32>
            %add3A_178 = arith.addf %unpack3A_175, %unpack3A_176 : vector<16xf32>
            %add3A_179 = arith.addf %add3A_177, %add3A_178 : vector<16xf32>
            %reduce_sum3A = arith.constant true
            %reduce_sum3A_180 = vector.broadcast %reduce_sum3A : i1 to vector<16xi1>
            %reduce_sum3A_181 = tpu.scan <sum>, %add3A_179 masked %reduce_sum3A_180 : vector<16xf32>, vector<16xi1> -> vector<16xf32>
            %reduce_sum3A_182 = vector.extract %reduce_sum3A_181[15] : f32 from vector<16xf32>
            %eq3A = vector.broadcast %add3A_141 : i32 to vector<16xi32>
            %eq3A_183 = arith.cmpi eq, %iota3A, %eq3A : vector<16xi32>
            %broadcast_in_dim3A_184 = vector.broadcast %reduce_sum3A_182 : f32 to vector<16xf32>
            %select_n3A = arith.select %eq3A_183, %broadcast_in_dim3A_184, %scan3A_137 : vector<16xi1>, vector<16xf32>
            %mul3A_185 = arith.constant 4 : i32
            %mul3A_186 = arith.muli %scan3A_136, %mul3A_185 : i32
            %add3A_187 = arith.constant 1 : i32
            %add3A_188 = arith.addi %mul3A_186, %add3A_187 : i32
            %mul3A_189 = arith.constant 16 : i32
            %mul3A_190 = arith.muli %scan3A_124, %mul3A_189 : i32
            %add3A_191 = arith.addi %mul3A_190, %add3A_188 : i32
            %get3A_192 = arith.index_cast %add3A_191 : i32 to index
            %get3A_193 = arith.constant 0 : index
            %get3A_194 = tpu.vector_load %arg10[%get3A_192, %get3A_193] {strides = array<i32>} : memref<80x128xbf16, #tpu.memory_space<vmem>>, vector<32xbf16>,
            %get3A_195 = arith.index_cast %add3A_191 : i32 to index
            %get3A_196 = arith.constant 0 : index
            %get3A_197 = tpu.vector_load %arg11[%get3A_195, %get3A_196] {strides = array<i32>} : memref<80x128xbf16, #tpu.memory_space<vmem>>, vector<32xbf16>,
            %mul3A_198 = arith.mulf %get3A_194, %get3A_197 : vector<32xbf16>
            %get3A_199 = arith.index_cast %add3A_191 : i32 to index
            %get3A_200 = arith.constant 32 : index
            %get3A_201 = tpu.vector_load %arg10[%get3A_199, %get3A_200] {strides = array<i32>} : memref<80x128xbf16, #tpu.memory_space<vmem>>, vector<32xbf16>,
            %get3A_202 = arith.index_cast %add3A_191 : i32 to index
            %get3A_203 = arith.constant 32 : index
            %get3A_204 = tpu.vector_load %arg11[%get3A_202, %get3A_203] {strides = array<i32>} : memref<80x128xbf16, #tpu.memory_space<vmem>>, vector<32xbf16>,
            %mul3A_205 = arith.mulf %get3A_201, %get3A_204 : vector<32xbf16>
            %get3A_206 = arith.index_cast %add3A_191 : i32 to index
            %get3A_207 = arith.constant 64 : index
            %get3A_208 = tpu.vector_load %arg10[%get3A_206, %get3A_207] {strides = array<i32>} : memref<80x128xbf16, #tpu.memory_space<vmem>>, vector<32xbf16>,
            %get3A_209 = arith.index_cast %add3A_191 : i32 to index
            %get3A_210 = arith.constant 64 : index
            %get3A_211 = tpu.vector_load %arg11[%get3A_209, %get3A_210] {strides = array<i32>} : memref<80x128xbf16, #tpu.memory_space<vmem>>, vector<32xbf16>,
            %mul3A_212 = arith.mulf %get3A_208, %get3A_211 : vector<32xbf16>
            %get3A_213 = arith.index_cast %add3A_191 : i32 to index
            %get3A_214 = arith.constant 96 : index
            %get3A_215 = tpu.vector_load %arg10[%get3A_213, %get3A_214] {strides = array<i32>} : memref<80x128xbf16, #tpu.memory_space<vmem>>, vector<32xbf16>,
            %get3A_216 = arith.index_cast %add3A_191 : i32 to index
            %get3A_217 = arith.constant 96 : index
            %get3A_218 = tpu.vector_load %arg11[%get3A_216, %get3A_217] {strides = array<i32>} : memref<80x128xbf16, #tpu.memory_space<vmem>>, vector<32xbf16>,
            %mul3A_219 = arith.mulf %get3A_215, %get3A_218 : vector<32xbf16>
            %add3A_220 = arith.addf %mul3A_198, %mul3A_205 : vector<32xbf16>
            %add3A_221 = arith.addf %mul3A_212, %mul3A_219 : vector<32xbf16>
            %unpack3A_222 = tpu.unpack_subelements %add3A_220, 0 {pack_format = #tpu.pack_format<interleaved>} : vector<32xbf16> -> vector<16xf32>
            %unpack3A_223 = tpu.unpack_subelements %add3A_220, 1 {pack_format = #tpu.pack_format<interleaved>} : vector<32xbf16> -> vector<16xf32>
            %unpack3A_224 = tpu.unpack_subelements %add3A_221, 0 {pack_format = #tpu.pack_format<interleaved>} : vector<32xbf16> -> vector<16xf32>
            %unpack3A_225 = tpu.unpack_subelements %add3A_221, 1 {pack_format = #tpu.pack_format<interleaved>} : vector<32xbf16> -> vector<16xf32>
            %add3A_226 = arith.addf %unpack3A_222, %unpack3A_223 : vector<16xf32>
            %add3A_227 = arith.addf %unpack3A_224, %unpack3A_225 : vector<16xf32>
            %add3A_228 = arith.addf %add3A_226, %add3A_227 : vector<16xf32>
            %reduce_sum3A_229 = arith.constant true
            %reduce_sum3A_230 = vector.broadcast %reduce_sum3A_229 : i1 to vector<16xi1>
            %reduce_sum3A_231 = tpu.scan <sum>, %add3A_228 masked %reduce_sum3A_230 : vector<16xf32>, vector<16xi1> -> vector<16xf32>
            %reduce_sum3A_232 = vector.extract %reduce_sum3A_231[15] : f32 from vector<16xf32>
            %eq3A_233 = vector.broadcast %add3A_188 : i32 to vector<16xi32>
            %eq3A_234 = arith.cmpi eq, %iota3A, %eq3A_233 : vector<16xi32>
            %broadcast_in_dim3A_235 = vector.broadcast %reduce_sum3A_232 : f32 to vector<16xf32>
            %select_n3A_236 = arith.select %eq3A_234, %broadcast_in_dim3A_235, %select_n3A : vector<16xi1>, vector<16xf32>
            %mul3A_237 = arith.constant 4 : i32
            %mul3A_238 = arith.muli %scan3A_136, %mul3A_237 : i32
            %add3A_239 = arith.constant 2 : i32
            %add3A_240 = arith.addi %mul3A_238, %add3A_239 : i32
            %mul3A_241 = arith.constant 16 : i32
            %mul3A_242 = arith.muli %scan3A_124, %mul3A_241 : i32
            %add3A_243 = arith.addi %mul3A_242, %add3A_240 : i32
            %get3A_244 = arith.index_cast %add3A_243 : i32 to index
            %get3A_245 = arith.constant 0 : index
            %get3A_246 = tpu.vector_load %arg10[%get3A_244, %get3A_245] {strides = array<i32>} : memref<80x128xbf16, #tpu.memory_space<vmem>>, vector<32xbf16>,
            %get3A_247 = arith.index_cast %add3A_243 : i32 to index
            %get3A_248 = arith.constant 0 : index
            %get3A_249 = tpu.vector_load %arg11[%get3A_247, %get3A_248] {strides = array<i32>} : memref<80x128xbf16, #tpu.memory_space<vmem>>, vector<32xbf16>,
            %mul3A_250 = arith.mulf %get3A_246, %get3A_249 : vector<32xbf16>
            %get3A_251 = arith.index_cast %add3A_243 : i32 to index
            %get3A_252 = arith.constant 32 : index
            %get3A_253 = tpu.vector_load %arg10[%get3A_251, %get3A_252] {strides = array<i32>} : memref<80x128xbf16, #tpu.memory_space<vmem>>, vector<32xbf16>,
            %get3A_254 = arith.index_cast %add3A_243 : i32 to index
            %get3A_255 = arith.constant 32 : index
            %get3A_256 = tpu.vector_load %arg11[%get3A_254, %get3A_255] {strides = array<i32>} : memref<80x128xbf16, #tpu.memory_space<vmem>>, vector<32xbf16>,
            %mul3A_257 = arith.mulf %get3A_253, %get3A_256 : vector<32xbf16>
            %get3A_258 = arith.index_cast %add3A_243 : i32 to index
            %get3A_259 = arith.constant 64 : index
            %get3A_260 = tpu.vector_load %arg10[%get3A_258, %get3A_259] {strides = array<i32>} : memref<80x128xbf16, #tpu.memory_space<vmem>>, vector<32xbf16>,
            %get3A_261 = arith.index_cast %add3A_243 : i32 to index
            %get3A_262 = arith.constant 64 : index
            %get3A_263 = tpu.vector_load %arg11[%get3A_261, %get3A_262] {strides = array<i32>} : memref<80x128xbf16, #tpu.memory_space<vmem>>, vector<32xbf16>,
            %mul3A_264 = arith.mulf %get3A_260, %get3A_263 : vector<32xbf16>
            %get3A_265 = arith.index_cast %add3A_243 : i32 to index
            %get3A_266 = arith.constant 96 : index
            %get3A_267 = tpu.vector_load %arg10[%get3A_265, %get3A_266] {strides = array<i32>} : memref<80x128xbf16, #tpu.memory_space<vmem>>, vector<32xbf16>,
            %get3A_268 = arith.index_cast %add3A_243 : i32 to index
            %get3A_269 = arith.constant 96 : index
            %get3A_270 = tpu.vector_load %arg11[%get3A_268, %get3A_269] {strides = array<i32>} : memref<80x128xbf16, #tpu.memory_space<vmem>>, vector<32xbf16>,
            %mul3A_271 = arith.mulf %get3A_267, %get3A_270 : vector<32xbf16>
            %add3A_272 = arith.addf %mul3A_250, %mul3A_257 : vector<32xbf16>
            %add3A_273 = arith.addf %mul3A_264, %mul3A_271 : vector<32xbf16>
            %unpack3A_274 = tpu.unpack_subelements %add3A_272, 0 {pack_format = #tpu.pack_format<interleaved>} : vector<32xbf16> -> vector<16xf32>
            %unpack3A_275 = tpu.unpack_subelements %add3A_272, 1 {pack_format = #tpu.pack_format<interleaved>} : vector<32xbf16> -> vector<16xf32>
            %unpack3A_276 = tpu.unpack_subelements %add3A_273, 0 {pack_format = #tpu.pack_format<interleaved>} : vector<32xbf16> -> vector<16xf32>
            %unpack3A_277 = tpu.unpack_subelements %add3A_273, 1 {pack_format = #tpu.pack_format<interleaved>} : vector<32xbf16> -> vector<16xf32>
            %add3A_278 = arith.addf %unpack3A_274, %unpack3A_275 : vector<16xf32>
            %add3A_279 = arith.addf %unpack3A_276, %unpack3A_277 : vector<16xf32>
            %add3A_280 = arith.addf %add3A_278, %add3A_279 : vector<16xf32>
            %reduce_sum3A_281 = arith.constant true
            %reduce_sum3A_282 = vector.broadcast %reduce_sum3A_281 : i1 to vector<16xi1>
            %reduce_sum3A_283 = tpu.scan <sum>, %add3A_280 masked %reduce_sum3A_282 : vector<16xf32>, vector<16xi1> -> vector<16xf32>
            %reduce_sum3A_284 = vector.extract %reduce_sum3A_283[15] : f32 from vector<16xf32>
            %eq3A_285 = vector.broadcast %add3A_240 : i32 to vector<16xi32>
            %eq3A_286 = arith.cmpi eq, %iota3A, %eq3A_285 : vector<16xi32>
            %broadcast_in_dim3A_287 = vector.broadcast %reduce_sum3A_284 : f32 to vector<16xf32>
            %select_n3A_288 = arith.select %eq3A_286, %broadcast_in_dim3A_287, %select_n3A_236 : vector<16xi1>, vector<16xf32>
            %mul3A_289 = arith.constant 4 : i32
            %mul3A_290 = arith.muli %scan3A_136, %mul3A_289 : i32
            %add3A_291 = arith.constant 3 : i32
            %add3A_292 = arith.addi %mul3A_290, %add3A_291 : i32
            %mul3A_293 = arith.constant 16 : i32
            %mul3A_294 = arith.muli %scan3A_124, %mul3A_293 : i32
            %add3A_295 = arith.addi %mul3A_294, %add3A_292 : i32
            %get3A_296 = arith.index_cast %add3A_295 : i32 to index
            %get3A_297 = arith.constant 0 : index
            %get3A_298 = tpu.vector_load %arg10[%get3A_296, %get3A_297] {strides = array<i32>} : memref<80x128xbf16, #tpu.memory_space<vmem>>, vector<32xbf16>,
            %get3A_299 = arith.index_cast %add3A_295 : i32 to index
            %get3A_300 = arith.constant 0 : index
            %get3A_301 = tpu.vector_load %arg11[%get3A_299, %get3A_300] {strides = array<i32>} : memref<80x128xbf16, #tpu.memory_space<vmem>>, vector<32xbf16>,
            %mul3A_302 = arith.mulf %get3A_298, %get3A_301 : vector<32xbf16>
            %get3A_303 = arith.index_cast %add3A_295 : i32 to index
            %get3A_304 = arith.constant 32 : index
            %get3A_305 = tpu.vector_load %arg10[%get3A_303, %get3A_304] {strides = array<i32>} : memref<80x128xbf16, #tpu.memory_space<vmem>>, vector<32xbf16>,
            %get3A_306 = arith.index_cast %add3A_295 : i32 to index
            %get3A_307 = arith.constant 32 : index
            %get3A_308 = tpu.vector_load %arg11[%get3A_306, %get3A_307] {strides = array<i32>} : memref<80x128xbf16, #tpu.memory_space<vmem>>, vector<32xbf16>,
            %mul3A_309 = arith.mulf %get3A_305, %get3A_308 : vector<32xbf16>
            %get3A_310 = arith.index_cast %add3A_295 : i32 to index
            %get3A_311 = arith.constant 64 : index
            %get3A_312 = tpu.vector_load %arg10[%get3A_310, %get3A_311] {strides = array<i32>} : memref<80x128xbf16, #tpu.memory_space<vmem>>, vector<32xbf16>,
            %get3A_313 = arith.index_cast %add3A_295 : i32 to index
            %get3A_314 = arith.constant 64 : index
            %get3A_315 = tpu.vector_load %arg11[%get3A_313, %get3A_314] {strides = array<i32>} : memref<80x128xbf16, #tpu.memory_space<vmem>>, vector<32xbf16>,
            %mul3A_316 = arith.mulf %get3A_312, %get3A_315 : vector<32xbf16>
            %get3A_317 = arith.index_cast %add3A_295 : i32 to index
            %get3A_318 = arith.constant 96 : index
            %get3A_319 = tpu.vector_load %arg10[%get3A_317, %get3A_318] {strides = array<i32>} : memref<80x128xbf16, #tpu.memory_space<vmem>>, vector<32xbf16>,
            %get3A_320 = arith.index_cast %add3A_295 : i32 to index
            %get3A_321 = arith.constant 96 : index
            %get3A_322 = tpu.vector_load %arg11[%get3A_320, %get3A_321] {strides = array<i32>} : memref<80x128xbf16, #tpu.memory_space<vmem>>, vector<32xbf16>,
            %mul3A_323 = arith.mulf %get3A_319, %get3A_322 : vector<32xbf16>
            %add3A_324 = arith.addf %mul3A_302, %mul3A_309 : vector<32xbf16>
            %add3A_325 = arith.addf %mul3A_316, %mul3A_323 : vector<32xbf16>
            %unpack3A_326 = tpu.unpack_subelements %add3A_324, 0 {pack_format = #tpu.pack_format<interleaved>} : vector<32xbf16> -> vector<16xf32>
            %unpack3A_327 = tpu.unpack_subelements %add3A_324, 1 {pack_format = #tpu.pack_format<interleaved>} : vector<32xbf16> -> vector<16xf32>
            %unpack3A_328 = tpu.unpack_subelements %add3A_325, 0 {pack_format = #tpu.pack_format<interleaved>} : vector<32xbf16> -> vector<16xf32>
            %unpack3A_329 = tpu.unpack_subelements %add3A_325, 1 {pack_format = #tpu.pack_format<interleaved>} : vector<32xbf16> -> vector<16xf32>
            %add3A_330 = arith.addf %unpack3A_326, %unpack3A_327 : vector<16xf32>
            %add3A_331 = arith.addf %unpack3A_328, %unpack3A_329 : vector<16xf32>
            %add3A_332 = arith.addf %add3A_330, %add3A_331 : vector<16xf32>
            %reduce_sum3A_333 = arith.constant true
            %reduce_sum3A_334 = vector.broadcast %reduce_sum3A_333 : i1 to vector<16xi1>
            %reduce_sum3A_335 = tpu.scan <sum>, %add3A_332 masked %reduce_sum3A_334 : vector<16xf32>, vector<16xi1> -> vector<16xf32>
            %reduce_sum3A_336 = vector.extract %reduce_sum3A_335[15] : f32 from vector<16xf32>
            %eq3A_337 = vector.broadcast %add3A_292 : i32 to vector<16xi32>
            %eq3A_338 = arith.cmpi eq, %iota3A, %eq3A_337 : vector<16xi32>
            %broadcast_in_dim3A_339 = vector.broadcast %reduce_sum3A_336 : f32 to vector<16xf32>
            %select_n3A_340 = arith.select %eq3A_338, %broadcast_in_dim3A_339, %select_n3A_288 : vector<16xi1>, vector<16xf32>
            scf.yield %select_n3A_340 : vector<16xf32>
          }
          %scan3A_131 = arith.constant 4 : i32
          %mul3A_132 = arith.constant 16 : i32
          %mul3A_133 = arith.muli %scan3A_124, %mul3A_132 : i32
          %add3A_134 = arith.addi %mul3A_117, %mul3A_133 : i32
          %swap3A = arith.index_cast %add3A_134 : i32 to index
          %swap3A_135 = tpu.vector_load %arg7[%swap3A] {strides = array<i32>} : memref<10016xf32, #tpu.memory_space<vmem>>, vector<16xf32>,
          tpu.vector_store %arg7[%swap3A], %scan3A_130 {strides = array<i32>} : memref<10016xf32, #tpu.memory_space<vmem>>, vector<16xf32>,
        }
        %scan3A_123 = arith.constant 5 : i32
      } else {
      }
      %mul3A_73 = arith.constant 4 : i32
      %mul3A_74 = arith.muli %scan3A_43, %mul3A_73 : i32
      %add3A_75 = arith.constant 2 : i32
      %add3A_76 = arith.addi %mul3A_74, %add3A_75 : i32
      %add3A_77 = arith.constant 3 : i32
      %add3A_78 = arith.addi %add3A_76, %add3A_77 : i32
      %lt3A_79 = arith.constant 125 : i32
      %lt3A_80 = arith.cmpi slt, %add3A_78, %lt3A_79 : i32
      %convert_element_type3A_81 = arith.extui %lt3A_80 : i1 to i32
      %cond3A_82 = arith.constant 0 : i32
      %cond3A_83 = arith.cmpi ne, %convert_element_type3A_81, %cond3A_82 : i32
      scf.if %cond3A_83 {
        %add3A_105 = arith.constant 3 : i32
        %add3A_106 = arith.addi %add3A_76, %add3A_105 : i32
        %mul3A_107 = arith.constant 80 : i32
        %mul3A_108 = arith.muli %add3A_106, %mul3A_107 : i32
        %dma_start3A_109 = tpu.memref_slice %arg5[%mul3A_108] : memref<10000xi32, #tpu.memory_space<vmem>> -> memref<80xi32, #tpu.memory_space<vmem>>
        %dma_start3A_110 = arith.constant 0 : i32
        %dma_start3A_111 = arith.constant 0 : i32
        %dma_start3A_112 = tpu.memref_slice %arg16[%dma_start3A_110, %dma_start3A_111] : memref<10000x128xbf16, #tpu.memory_space<vmem_shared>> -> memref<10000x128xbf16, #tpu.memory_space<vmem_shared>>
        tpu.enqueue_indirect_dma source(%dma_start3A_112 : memref<10000x128xbf16, #tpu.memory_space<vmem_shared>>) target(%arg10 : memref<80x128xbf16, #tpu.memory_space<vmem>>) offsets(%dma_start3A_109 : memref<80xi32, #tpu.memory_space<vmem>>) semaphore(%arg18 : memref<!tpu.dma_semaphore, #tpu.memory_space<semaphore_mem>>)
        %dma_start3A_113 = tpu.memref_slice %arg6[%mul3A_108] : memref<10000xi32, #tpu.memory_space<vmem>> -> memref<80xi32, #tpu.memory_space<vmem>>
        %dma_start3A_114 = arith.constant 0 : i32
        %dma_start3A_115 = arith.constant 0 : i32
        %dma_start3A_116 = tpu.memref_slice %arg16[%dma_start3A_114, %dma_start3A_115] : memref<10000x128xbf16, #tpu.memory_space<vmem_shared>> -> memref<10000x128xbf16, #tpu.memory_space<vmem_shared>>
        tpu.enqueue_indirect_dma source(%dma_start3A_116 : memref<10000x128xbf16, #tpu.memory_space<vmem_shared>>) target(%arg11 : memref<80x128xbf16, #tpu.memory_space<vmem>>) offsets(%dma_start3A_113 : memref<80xi32, #tpu.memory_space<vmem>>) semaphore(%arg18 : memref<!tpu.dma_semaphore, #tpu.memory_space<semaphore_mem>>)
      } else {
      }
      %lt3A_84 = arith.constant 125 : i32
      %lt3A_85 = arith.cmpi slt, %add3A_76, %lt3A_84 : i32
      %convert_element_type3A_86 = arith.extui %lt3A_85 : i1 to i32
      %cond3A_87 = arith.constant 0 : i32
      %cond3A_88 = arith.cmpi ne, %convert_element_type3A_86, %cond3A_87 : i32
      scf.if %cond3A_88 {
        %dma_wait3A = arith.constant 0 : i32
        %dma_wait3A_105 = arith.constant 0 : i32
        %dma_wait3A_106 = tpu.memref_slice %arg2[%dma_wait3A, %dma_wait3A_105] : memref<10000x128xbf16, #tpu.memory_space<hbm>> -> memref<80x128xbf16, #tpu.memory_space<hbm>>
        %dma_wait3A_107 = arith.constant 0 : i32
        %dma_wait3A_108 = arith.constant 0 : i32
        %dma_wait3A_109 = tpu.memref_slice %arg2[%dma_wait3A_107, %dma_wait3A_108] : memref<10000x128xbf16, #tpu.memory_space<hbm>> -> memref<80x128xbf16, #tpu.memory_space<hbm>>
        tpu.wait_dma2 semaphore(%arg19 : memref<!tpu.dma_semaphore, #tpu.memory_space<semaphore_mem>>) src(%dma_wait3A_109 : memref<80x128xbf16, #tpu.memory_space<hbm>>) dst(%arg12 : memref<80x128xbf16, #tpu.memory_space<vmem>>)
        %dma_wait3A_110 = arith.constant 0 : i32
        %dma_wait3A_111 = arith.constant 0 : i32
        %dma_wait3A_112 = tpu.memref_slice %arg2[%dma_wait3A_110, %dma_wait3A_111] : memref<10000x128xbf16, #tpu.memory_space<hbm>> -> memref<80x128xbf16, #tpu.memory_space<hbm>>
        %dma_wait3A_113 = arith.constant 0 : i32
        %dma_wait3A_114 = arith.constant 0 : i32
        %dma_wait3A_115 = tpu.memref_slice %arg2[%dma_wait3A_113, %dma_wait3A_114] : memref<10000x128xbf16, #tpu.memory_space<hbm>> -> memref<80x128xbf16, #tpu.memory_space<hbm>>
        tpu.wait_dma2 semaphore(%arg19 : memref<!tpu.dma_semaphore, #tpu.memory_space<semaphore_mem>>) src(%dma_wait3A_115 : memref<80x128xbf16, #tpu.memory_space<hbm>>) dst(%arg13 : memref<80x128xbf16, #tpu.memory_space<vmem>>)
        %mul3A_116 = arith.constant 80 : i32
        %mul3A_117 = arith.muli %add3A_76, %mul3A_116 : i32
        %scan3A_118 = arith.constant 0 : i32
        %scan3A_119 = arith.constant 0 : i32
        %scan3A_120 = arith.constant 5 : i32
        %scan3A_121 = arith.addi %scan3A_119, %scan3A_120 : i32
        %scan3A_122 = arith.constant 1 : i32
        scf.for %scan3A_124 = %scan3A_119 to %scan3A_121 step %scan3A_122  : i32 {
          %broadcast_in_dim3A = arith.constant 0.000000e+00 : f32
          %broadcast_in_dim3A_125 = vector.broadcast %broadcast_in_dim3A : f32 to vector<16xf32>
          %scan3A_126 = arith.constant 0 : i32
          %scan3A_127 = arith.constant 4 : i32
          %scan3A_128 = arith.addi %scan3A_126, %scan3A_127 : i32
          %scan3A_129 = arith.constant 1 : i32
          %scan3A_130 = scf.for %scan3A_136 = %scan3A_126 to %scan3A_128 step %scan3A_129 iter_args(%scan3A_137 = %broadcast_in_dim3A_125) -> (vector<16xf32>)  : i32 {
            %mul3A_138 = arith.constant 4 : i32
            %mul3A_139 = arith.muli %scan3A_136, %mul3A_138 : i32
            %add3A_140 = arith.constant 0 : i32
            %add3A_141 = arith.addi %mul3A_139, %add3A_140 : i32
            %mul3A_142 = arith.constant 16 : i32
            %mul3A_143 = arith.muli %scan3A_124, %mul3A_142 : i32
            %add3A_144 = arith.addi %mul3A_143, %add3A_141 : i32
            %get3A = arith.index_cast %add3A_144 : i32 to index
            %get3A_145 = arith.constant 0 : index
            %get3A_146 = tpu.vector_load %arg12[%get3A, %get3A_145] {strides = array<i32>} : memref<80x128xbf16, #tpu.memory_space<vmem>>, vector<32xbf16>,
            %get3A_147 = arith.index_cast %add3A_144 : i32 to index
            %get3A_148 = arith.constant 0 : index
            %get3A_149 = tpu.vector_load %arg13[%get3A_147, %get3A_148] {strides = array<i32>} : memref<80x128xbf16, #tpu.memory_space<vmem>>, vector<32xbf16>,
            %mul3A_150 = arith.mulf %get3A_146, %get3A_149 : vector<32xbf16>
            %get3A_151 = arith.index_cast %add3A_144 : i32 to index
            %get3A_152 = arith.constant 32 : index
            %get3A_153 = tpu.vector_load %arg12[%get3A_151, %get3A_152] {strides = array<i32>} : memref<80x128xbf16, #tpu.memory_space<vmem>>, vector<32xbf16>,
            %get3A_154 = arith.index_cast %add3A_144 : i32 to index
            %get3A_155 = arith.constant 32 : index
            %get3A_156 = tpu.vector_load %arg13[%get3A_154, %get3A_155] {strides = array<i32>} : memref<80x128xbf16, #tpu.memory_space<vmem>>, vector<32xbf16>,
            %mul3A_157 = arith.mulf %get3A_153, %get3A_156 : vector<32xbf16>
            %get3A_158 = arith.index_cast %add3A_144 : i32 to index
            %get3A_159 = arith.constant 64 : index
            %get3A_160 = tpu.vector_load %arg12[%get3A_158, %get3A_159] {strides = array<i32>} : memref<80x128xbf16, #tpu.memory_space<vmem>>, vector<32xbf16>,
            %get3A_161 = arith.index_cast %add3A_144 : i32 to index
            %get3A_162 = arith.constant 64 : index
            %get3A_163 = tpu.vector_load %arg13[%get3A_161, %get3A_162] {strides = array<i32>} : memref<80x128xbf16, #tpu.memory_space<vmem>>, vector<32xbf16>,
            %mul3A_164 = arith.mulf %get3A_160, %get3A_163 : vector<32xbf16>
            %get3A_165 = arith.index_cast %add3A_144 : i32 to index
            %get3A_166 = arith.constant 96 : index
            %get3A_167 = tpu.vector_load %arg12[%get3A_165, %get3A_166] {strides = array<i32>} : memref<80x128xbf16, #tpu.memory_space<vmem>>, vector<32xbf16>,
            %get3A_168 = arith.index_cast %add3A_144 : i32 to index
            %get3A_169 = arith.constant 96 : index
            %get3A_170 = tpu.vector_load %arg13[%get3A_168, %get3A_169] {strides = array<i32>} : memref<80x128xbf16, #tpu.memory_space<vmem>>, vector<32xbf16>,
            %mul3A_171 = arith.mulf %get3A_167, %get3A_170 : vector<32xbf16>
            %add3A_172 = arith.addf %mul3A_150, %mul3A_157 : vector<32xbf16>
            %add3A_173 = arith.addf %mul3A_164, %mul3A_171 : vector<32xbf16>
            %unpack3A = tpu.unpack_subelements %add3A_172, 0 {pack_format = #tpu.pack_format<interleaved>} : vector<32xbf16> -> vector<16xf32>
            %unpack3A_174 = tpu.unpack_subelements %add3A_172, 1 {pack_format = #tpu.pack_format<interleaved>} : vector<32xbf16> -> vector<16xf32>
            %unpack3A_175 = tpu.unpack_subelements %add3A_173, 0 {pack_format = #tpu.pack_format<interleaved>} : vector<32xbf16> -> vector<16xf32>
            %unpack3A_176 = tpu.unpack_subelements %add3A_173, 1 {pack_format = #tpu.pack_format<interleaved>} : vector<32xbf16> -> vector<16xf32>
            %add3A_177 = arith.addf %unpack3A, %unpack3A_174 : vector<16xf32>
            %add3A_178 = arith.addf %unpack3A_175, %unpack3A_176 : vector<16xf32>
            %add3A_179 = arith.addf %add3A_177, %add3A_178 : vector<16xf32>
            %reduce_sum3A = arith.constant true
            %reduce_sum3A_180 = vector.broadcast %reduce_sum3A : i1 to vector<16xi1>
            %reduce_sum3A_181 = tpu.scan <sum>, %add3A_179 masked %reduce_sum3A_180 : vector<16xf32>, vector<16xi1> -> vector<16xf32>
            %reduce_sum3A_182 = vector.extract %reduce_sum3A_181[15] : f32 from vector<16xf32>
            %eq3A = vector.broadcast %add3A_141 : i32 to vector<16xi32>
            %eq3A_183 = arith.cmpi eq, %iota3A, %eq3A : vector<16xi32>
            %broadcast_in_dim3A_184 = vector.broadcast %reduce_sum3A_182 : f32 to vector<16xf32>
            %select_n3A = arith.select %eq3A_183, %broadcast_in_dim3A_184, %scan3A_137 : vector<16xi1>, vector<16xf32>
            %mul3A_185 = arith.constant 4 : i32
            %mul3A_186 = arith.muli %scan3A_136, %mul3A_185 : i32
            %add3A_187 = arith.constant 1 : i32
            %add3A_188 = arith.addi %mul3A_186, %add3A_187 : i32
            %mul3A_189 = arith.constant 16 : i32
            %mul3A_190 = arith.muli %scan3A_124, %mul3A_189 : i32
            %add3A_191 = arith.addi %mul3A_190, %add3A_188 : i32
            %get3A_192 = arith.index_cast %add3A_191 : i32 to index
            %get3A_193 = arith.constant 0 : index
            %get3A_194 = tpu.vector_load %arg12[%get3A_192, %get3A_193] {strides = array<i32>} : memref<80x128xbf16, #tpu.memory_space<vmem>>, vector<32xbf16>,
            %get3A_195 = arith.index_cast %add3A_191 : i32 to index
            %get3A_196 = arith.constant 0 : index
            %get3A_197 = tpu.vector_load %arg13[%get3A_195, %get3A_196] {strides = array<i32>} : memref<80x128xbf16, #tpu.memory_space<vmem>>, vector<32xbf16>,
            %mul3A_198 = arith.mulf %get3A_194, %get3A_197 : vector<32xbf16>
            %get3A_199 = arith.index_cast %add3A_191 : i32 to index
            %get3A_200 = arith.constant 32 : index
            %get3A_201 = tpu.vector_load %arg12[%get3A_199, %get3A_200] {strides = array<i32>} : memref<80x128xbf16, #tpu.memory_space<vmem>>, vector<32xbf16>,
            %get3A_202 = arith.index_cast %add3A_191 : i32 to index
            %get3A_203 = arith.constant 32 : index
            %get3A_204 = tpu.vector_load %arg13[%get3A_202, %get3A_203] {strides = array<i32>} : memref<80x128xbf16, #tpu.memory_space<vmem>>, vector<32xbf16>,
            %mul3A_205 = arith.mulf %get3A_201, %get3A_204 : vector<32xbf16>
            %get3A_206 = arith.index_cast %add3A_191 : i32 to index
            %get3A_207 = arith.constant 64 : index
            %get3A_208 = tpu.vector_load %arg12[%get3A_206, %get3A_207] {strides = array<i32>} : memref<80x128xbf16, #tpu.memory_space<vmem>>, vector<32xbf16>,
            %get3A_209 = arith.index_cast %add3A_191 : i32 to index
            %get3A_210 = arith.constant 64 : index
            %get3A_211 = tpu.vector_load %arg13[%get3A_209, %get3A_210] {strides = array<i32>} : memref<80x128xbf16, #tpu.memory_space<vmem>>, vector<32xbf16>,
            %mul3A_212 = arith.mulf %get3A_208, %get3A_211 : vector<32xbf16>
            %get3A_213 = arith.index_cast %add3A_191 : i32 to index
            %get3A_214 = arith.constant 96 : index
            %get3A_215 = tpu.vector_load %arg12[%get3A_213, %get3A_214] {strides = array<i32>} : memref<80x128xbf16, #tpu.memory_space<vmem>>, vector<32xbf16>,
            %get3A_216 = arith.index_cast %add3A_191 : i32 to index
            %get3A_217 = arith.constant 96 : index
            %get3A_218 = tpu.vector_load %arg13[%get3A_216, %get3A_217] {strides = array<i32>} : memref<80x128xbf16, #tpu.memory_space<vmem>>, vector<32xbf16>,
            %mul3A_219 = arith.mulf %get3A_215, %get3A_218 : vector<32xbf16>
            %add3A_220 = arith.addf %mul3A_198, %mul3A_205 : vector<32xbf16>
            %add3A_221 = arith.addf %mul3A_212, %mul3A_219 : vector<32xbf16>
            %unpack3A_222 = tpu.unpack_subelements %add3A_220, 0 {pack_format = #tpu.pack_format<interleaved>} : vector<32xbf16> -> vector<16xf32>
            %unpack3A_223 = tpu.unpack_subelements %add3A_220, 1 {pack_format = #tpu.pack_format<interleaved>} : vector<32xbf16> -> vector<16xf32>
            %unpack3A_224 = tpu.unpack_subelements %add3A_221, 0 {pack_format = #tpu.pack_format<interleaved>} : vector<32xbf16> -> vector<16xf32>
            %unpack3A_225 = tpu.unpack_subelements %add3A_221, 1 {pack_format = #tpu.pack_format<interleaved>} : vector<32xbf16> -> vector<16xf32>
            %add3A_226 = arith.addf %unpack3A_222, %unpack3A_223 : vector<16xf32>
            %add3A_227 = arith.addf %unpack3A_224, %unpack3A_225 : vector<16xf32>
            %add3A_228 = arith.addf %add3A_226, %add3A_227 : vector<16xf32>
            %reduce_sum3A_229 = arith.constant true
            %reduce_sum3A_230 = vector.broadcast %reduce_sum3A_229 : i1 to vector<16xi1>
            %reduce_sum3A_231 = tpu.scan <sum>, %add3A_228 masked %reduce_sum3A_230 : vector<16xf32>, vector<16xi1> -> vector<16xf32>
            %reduce_sum3A_232 = vector.extract %reduce_sum3A_231[15] : f32 from vector<16xf32>
            %eq3A_233 = vector.broadcast %add3A_188 : i32 to vector<16xi32>
            %eq3A_234 = arith.cmpi eq, %iota3A, %eq3A_233 : vector<16xi32>
            %broadcast_in_dim3A_235 = vector.broadcast %reduce_sum3A_232 : f32 to vector<16xf32>
            %select_n3A_236 = arith.select %eq3A_234, %broadcast_in_dim3A_235, %select_n3A : vector<16xi1>, vector<16xf32>
            %mul3A_237 = arith.constant 4 : i32
            %mul3A_238 = arith.muli %scan3A_136, %mul3A_237 : i32
            %add3A_239 = arith.constant 2 : i32
            %add3A_240 = arith.addi %mul3A_238, %add3A_239 : i32
            %mul3A_241 = arith.constant 16 : i32
            %mul3A_242 = arith.muli %scan3A_124, %mul3A_241 : i32
            %add3A_243 = arith.addi %mul3A_242, %add3A_240 : i32
            %get3A_244 = arith.index_cast %add3A_243 : i32 to index
            %get3A_245 = arith.constant 0 : index
            %get3A_246 = tpu.vector_load %arg12[%get3A_244, %get3A_245] {strides = array<i32>} : memref<80x128xbf16, #tpu.memory_space<vmem>>, vector<32xbf16>,
            %get3A_247 = arith.index_cast %add3A_243 : i32 to index
            %get3A_248 = arith.constant 0 : index
            %get3A_249 = tpu.vector_load %arg13[%get3A_247, %get3A_248] {strides = array<i32>} : memref<80x128xbf16, #tpu.memory_space<vmem>>, vector<32xbf16>,
            %mul3A_250 = arith.mulf %get3A_246, %get3A_249 : vector<32xbf16>
            %get3A_251 = arith.index_cast %add3A_243 : i32 to index
            %get3A_252 = arith.constant 32 : index
            %get3A_253 = tpu.vector_load %arg12[%get3A_251, %get3A_252] {strides = array<i32>} : memref<80x128xbf16, #tpu.memory_space<vmem>>, vector<32xbf16>,
            %get3A_254 = arith.index_cast %add3A_243 : i32 to index
            %get3A_255 = arith.constant 32 : index
            %get3A_256 = tpu.vector_load %arg13[%get3A_254, %get3A_255] {strides = array<i32>} : memref<80x128xbf16, #tpu.memory_space<vmem>>, vector<32xbf16>,
            %mul3A_257 = arith.mulf %get3A_253, %get3A_256 : vector<32xbf16>
            %get3A_258 = arith.index_cast %add3A_243 : i32 to index
            %get3A_259 = arith.constant 64 : index
            %get3A_260 = tpu.vector_load %arg12[%get3A_258, %get3A_259] {strides = array<i32>} : memref<80x128xbf16, #tpu.memory_space<vmem>>, vector<32xbf16>,
            %get3A_261 = arith.index_cast %add3A_243 : i32 to index
            %get3A_262 = arith.constant 64 : index
            %get3A_263 = tpu.vector_load %arg13[%get3A_261, %get3A_262] {strides = array<i32>} : memref<80x128xbf16, #tpu.memory_space<vmem>>, vector<32xbf16>,
            %mul3A_264 = arith.mulf %get3A_260, %get3A_263 : vector<32xbf16>
            %get3A_265 = arith.index_cast %add3A_243 : i32 to index
            %get3A_266 = arith.constant 96 : index
            %get3A_267 = tpu.vector_load %arg12[%get3A_265, %get3A_266] {strides = array<i32>} : memref<80x128xbf16, #tpu.memory_space<vmem>>, vector<32xbf16>,
            %get3A_268 = arith.index_cast %add3A_243 : i32 to index
            %get3A_269 = arith.constant 96 : index
            %get3A_270 = tpu.vector_load %arg13[%get3A_268, %get3A_269] {strides = array<i32>} : memref<80x128xbf16, #tpu.memory_space<vmem>>, vector<32xbf16>,
            %mul3A_271 = arith.mulf %get3A_267, %get3A_270 : vector<32xbf16>
            %add3A_272 = arith.addf %mul3A_250, %mul3A_257 : vector<32xbf16>
            %add3A_273 = arith.addf %mul3A_264, %mul3A_271 : vector<32xbf16>
            %unpack3A_274 = tpu.unpack_subelements %add3A_272, 0 {pack_format = #tpu.pack_format<interleaved>} : vector<32xbf16> -> vector<16xf32>
            %unpack3A_275 = tpu.unpack_subelements %add3A_272, 1 {pack_format = #tpu.pack_format<interleaved>} : vector<32xbf16> -> vector<16xf32>
            %unpack3A_276 = tpu.unpack_subelements %add3A_273, 0 {pack_format = #tpu.pack_format<interleaved>} : vector<32xbf16> -> vector<16xf32>
            %unpack3A_277 = tpu.unpack_subelements %add3A_273, 1 {pack_format = #tpu.pack_format<interleaved>} : vector<32xbf16> -> vector<16xf32>
            %add3A_278 = arith.addf %unpack3A_274, %unpack3A_275 : vector<16xf32>
            %add3A_279 = arith.addf %unpack3A_276, %unpack3A_277 : vector<16xf32>
            %add3A_280 = arith.addf %add3A_278, %add3A_279 : vector<16xf32>
            %reduce_sum3A_281 = arith.constant true
            %reduce_sum3A_282 = vector.broadcast %reduce_sum3A_281 : i1 to vector<16xi1>
            %reduce_sum3A_283 = tpu.scan <sum>, %add3A_280 masked %reduce_sum3A_282 : vector<16xf32>, vector<16xi1> -> vector<16xf32>
            %reduce_sum3A_284 = vector.extract %reduce_sum3A_283[15] : f32 from vector<16xf32>
            %eq3A_285 = vector.broadcast %add3A_240 : i32 to vector<16xi32>
            %eq3A_286 = arith.cmpi eq, %iota3A, %eq3A_285 : vector<16xi32>
            %broadcast_in_dim3A_287 = vector.broadcast %reduce_sum3A_284 : f32 to vector<16xf32>
            %select_n3A_288 = arith.select %eq3A_286, %broadcast_in_dim3A_287, %select_n3A_236 : vector<16xi1>, vector<16xf32>
            %mul3A_289 = arith.constant 4 : i32
            %mul3A_290 = arith.muli %scan3A_136, %mul3A_289 : i32
            %add3A_291 = arith.constant 3 : i32
            %add3A_292 = arith.addi %mul3A_290, %add3A_291 : i32
            %mul3A_293 = arith.constant 16 : i32
            %mul3A_294 = arith.muli %scan3A_124, %mul3A_293 : i32
            %add3A_295 = arith.addi %mul3A_294, %add3A_292 : i32
            %get3A_296 = arith.index_cast %add3A_295 : i32 to index
            %get3A_297 = arith.constant 0 : index
            %get3A_298 = tpu.vector_load %arg12[%get3A_296, %get3A_297] {strides = array<i32>} : memref<80x128xbf16, #tpu.memory_space<vmem>>, vector<32xbf16>,
            %get3A_299 = arith.index_cast %add3A_295 : i32 to index
            %get3A_300 = arith.constant 0 : index
            %get3A_301 = tpu.vector_load %arg13[%get3A_299, %get3A_300] {strides = array<i32>} : memref<80x128xbf16, #tpu.memory_space<vmem>>, vector<32xbf16>,
            %mul3A_302 = arith.mulf %get3A_298, %get3A_301 : vector<32xbf16>
            %get3A_303 = arith.index_cast %add3A_295 : i32 to index
            %get3A_304 = arith.constant 32 : index
            %get3A_305 = tpu.vector_load %arg12[%get3A_303, %get3A_304] {strides = array<i32>} : memref<80x128xbf16, #tpu.memory_space<vmem>>, vector<32xbf16>,
            %get3A_306 = arith.index_cast %add3A_295 : i32 to index
            %get3A_307 = arith.constant 32 : index
            %get3A_308 = tpu.vector_load %arg13[%get3A_306, %get3A_307] {strides = array<i32>} : memref<80x128xbf16, #tpu.memory_space<vmem>>, vector<32xbf16>,
            %mul3A_309 = arith.mulf %get3A_305, %get3A_308 : vector<32xbf16>
            %get3A_310 = arith.index_cast %add3A_295 : i32 to index
            %get3A_311 = arith.constant 64 : index
            %get3A_312 = tpu.vector_load %arg12[%get3A_310, %get3A_311] {strides = array<i32>} : memref<80x128xbf16, #tpu.memory_space<vmem>>, vector<32xbf16>,
            %get3A_313 = arith.index_cast %add3A_295 : i32 to index
            %get3A_314 = arith.constant 64 : index
            %get3A_315 = tpu.vector_load %arg13[%get3A_313, %get3A_314] {strides = array<i32>} : memref<80x128xbf16, #tpu.memory_space<vmem>>, vector<32xbf16>,
            %mul3A_316 = arith.mulf %get3A_312, %get3A_315 : vector<32xbf16>
            %get3A_317 = arith.index_cast %add3A_295 : i32 to index
            %get3A_318 = arith.constant 96 : index
            %get3A_319 = tpu.vector_load %arg12[%get3A_317, %get3A_318] {strides = array<i32>} : memref<80x128xbf16, #tpu.memory_space<vmem>>, vector<32xbf16>,
            %get3A_320 = arith.index_cast %add3A_295 : i32 to index
            %get3A_321 = arith.constant 96 : index
            %get3A_322 = tpu.vector_load %arg13[%get3A_320, %get3A_321] {strides = array<i32>} : memref<80x128xbf16, #tpu.memory_space<vmem>>, vector<32xbf16>,
            %mul3A_323 = arith.mulf %get3A_319, %get3A_322 : vector<32xbf16>
            %add3A_324 = arith.addf %mul3A_302, %mul3A_309 : vector<32xbf16>
            %add3A_325 = arith.addf %mul3A_316, %mul3A_323 : vector<32xbf16>
            %unpack3A_326 = tpu.unpack_subelements %add3A_324, 0 {pack_format = #tpu.pack_format<interleaved>} : vector<32xbf16> -> vector<16xf32>
            %unpack3A_327 = tpu.unpack_subelements %add3A_324, 1 {pack_format = #tpu.pack_format<interleaved>} : vector<32xbf16> -> vector<16xf32>
            %unpack3A_328 = tpu.unpack_subelements %add3A_325, 0 {pack_format = #tpu.pack_format<interleaved>} : vector<32xbf16> -> vector<16xf32>
            %unpack3A_329 = tpu.unpack_subelements %add3A_325, 1 {pack_format = #tpu.pack_format<interleaved>} : vector<32xbf16> -> vector<16xf32>
            %add3A_330 = arith.addf %unpack3A_326, %unpack3A_327 : vector<16xf32>
            %add3A_331 = arith.addf %unpack3A_328, %unpack3A_329 : vector<16xf32>
            %add3A_332 = arith.addf %add3A_330, %add3A_331 : vector<16xf32>
            %reduce_sum3A_333 = arith.constant true
            %reduce_sum3A_334 = vector.broadcast %reduce_sum3A_333 : i1 to vector<16xi1>
            %reduce_sum3A_335 = tpu.scan <sum>, %add3A_332 masked %reduce_sum3A_334 : vector<16xf32>, vector<16xi1> -> vector<16xf32>
            %reduce_sum3A_336 = vector.extract %reduce_sum3A_335[15] : f32 from vector<16xf32>
            %eq3A_337 = vector.broadcast %add3A_292 : i32 to vector<16xi32>
            %eq3A_338 = arith.cmpi eq, %iota3A, %eq3A_337 : vector<16xi32>
            %broadcast_in_dim3A_339 = vector.broadcast %reduce_sum3A_336 : f32 to vector<16xf32>
            %select_n3A_340 = arith.select %eq3A_338, %broadcast_in_dim3A_339, %select_n3A_288 : vector<16xi1>, vector<16xf32>
            scf.yield %select_n3A_340 : vector<16xf32>
          }
          %scan3A_131 = arith.constant 4 : i32
          %mul3A_132 = arith.constant 16 : i32
          %mul3A_133 = arith.muli %scan3A_124, %mul3A_132 : i32
          %add3A_134 = arith.addi %mul3A_117, %mul3A_133 : i32
          %swap3A = arith.index_cast %add3A_134 : i32 to index
          %swap3A_135 = tpu.vector_load %arg7[%swap3A] {strides = array<i32>} : memref<10016xf32, #tpu.memory_space<vmem>>, vector<16xf32>,
          tpu.vector_store %arg7[%swap3A], %scan3A_130 {strides = array<i32>} : memref<10016xf32, #tpu.memory_space<vmem>>, vector<16xf32>,
        }
        %scan3A_123 = arith.constant 5 : i32
      } else {
      }
      %mul3A_89 = arith.constant 4 : i32
      %mul3A_90 = arith.muli %scan3A_43, %mul3A_89 : i32
      %add3A_91 = arith.constant 3 : i32
      %add3A_92 = arith.addi %mul3A_90, %add3A_91 : i32
      %add3A_93 = arith.constant 3 : i32
      %add3A_94 = arith.addi %add3A_92, %add3A_93 : i32
      %lt3A_95 = arith.constant 125 : i32
      %lt3A_96 = arith.cmpi slt, %add3A_94, %lt3A_95 : i32
      %convert_element_type3A_97 = arith.extui %lt3A_96 : i1 to i32
      %cond3A_98 = arith.constant 0 : i32
      %cond3A_99 = arith.cmpi ne, %convert_element_type3A_97, %cond3A_98 : i32
      scf.if %cond3A_99 {
        %add3A_105 = arith.constant 3 : i32
        %add3A_106 = arith.addi %add3A_92, %add3A_105 : i32
        %mul3A_107 = arith.constant 80 : i32
        %mul3A_108 = arith.muli %add3A_106, %mul3A_107 : i32
        %dma_start3A_109 = tpu.memref_slice %arg5[%mul3A_108] : memref<10000xi32, #tpu.memory_space<vmem>> -> memref<80xi32, #tpu.memory_space<vmem>>
        %dma_start3A_110 = arith.constant 0 : i32
        %dma_start3A_111 = arith.constant 0 : i32
        %dma_start3A_112 = tpu.memref_slice %arg16[%dma_start3A_110, %dma_start3A_111] : memref<10000x128xbf16, #tpu.memory_space<vmem_shared>> -> memref<10000x128xbf16, #tpu.memory_space<vmem_shared>>
        tpu.enqueue_indirect_dma source(%dma_start3A_112 : memref<10000x128xbf16, #tpu.memory_space<vmem_shared>>) target(%arg12 : memref<80x128xbf16, #tpu.memory_space<vmem>>) offsets(%dma_start3A_109 : memref<80xi32, #tpu.memory_space<vmem>>) semaphore(%arg19 : memref<!tpu.dma_semaphore, #tpu.memory_space<semaphore_mem>>)
        %dma_start3A_113 = tpu.memref_slice %arg6[%mul3A_108] : memref<10000xi32, #tpu.memory_space<vmem>> -> memref<80xi32, #tpu.memory_space<vmem>>
        %dma_start3A_114 = arith.constant 0 : i32
        %dma_start3A_115 = arith.constant 0 : i32
        %dma_start3A_116 = tpu.memref_slice %arg16[%dma_start3A_114, %dma_start3A_115] : memref<10000x128xbf16, #tpu.memory_space<vmem_shared>> -> memref<10000x128xbf16, #tpu.memory_space<vmem_shared>>
        tpu.enqueue_indirect_dma source(%dma_start3A_116 : memref<10000x128xbf16, #tpu.memory_space<vmem_shared>>) target(%arg13 : memref<80x128xbf16, #tpu.memory_space<vmem>>) offsets(%dma_start3A_113 : memref<80xi32, #tpu.memory_space<vmem>>) semaphore(%arg19 : memref<!tpu.dma_semaphore, #tpu.memory_space<semaphore_mem>>)
      } else {
      }
      %lt3A_100 = arith.constant 125 : i32
      %lt3A_101 = arith.cmpi slt, %add3A_92, %lt3A_100 : i32
      %convert_element_type3A_102 = arith.extui %lt3A_101 : i1 to i32
      %cond3A_103 = arith.constant 0 : i32
      %cond3A_104 = arith.cmpi ne, %convert_element_type3A_102, %cond3A_103 : i32
      scf.if %cond3A_104 {
        %dma_wait3A = arith.constant 0 : i32
        %dma_wait3A_105 = arith.constant 0 : i32
        %dma_wait3A_106 = tpu.memref_slice %arg2[%dma_wait3A, %dma_wait3A_105] : memref<10000x128xbf16, #tpu.memory_space<hbm>> -> memref<80x128xbf16, #tpu.memory_space<hbm>>
        %dma_wait3A_107 = arith.constant 0 : i32
        %dma_wait3A_108 = arith.constant 0 : i32
        %dma_wait3A_109 = tpu.memref_slice %arg2[%dma_wait3A_107, %dma_wait3A_108] : memref<10000x128xbf16, #tpu.memory_space<hbm>> -> memref<80x128xbf16, #tpu.memory_space<hbm>>
        tpu.wait_dma2 semaphore(%arg20 : memref<!tpu.dma_semaphore, #tpu.memory_space<semaphore_mem>>) src(%dma_wait3A_109 : memref<80x128xbf16, #tpu.memory_space<hbm>>) dst(%arg14 : memref<80x128xbf16, #tpu.memory_space<vmem>>)
        %dma_wait3A_110 = arith.constant 0 : i32
        %dma_wait3A_111 = arith.constant 0 : i32
        %dma_wait3A_112 = tpu.memref_slice %arg2[%dma_wait3A_110, %dma_wait3A_111] : memref<10000x128xbf16, #tpu.memory_space<hbm>> -> memref<80x128xbf16, #tpu.memory_space<hbm>>
        %dma_wait3A_113 = arith.constant 0 : i32
        %dma_wait3A_114 = arith.constant 0 : i32
        %dma_wait3A_115 = tpu.memref_slice %arg2[%dma_wait3A_113, %dma_wait3A_114] : memref<10000x128xbf16, #tpu.memory_space<hbm>> -> memref<80x128xbf16, #tpu.memory_space<hbm>>
        tpu.wait_dma2 semaphore(%arg20 : memref<!tpu.dma_semaphore, #tpu.memory_space<semaphore_mem>>) src(%dma_wait3A_115 : memref<80x128xbf16, #tpu.memory_space<hbm>>) dst(%arg15 : memref<80x128xbf16, #tpu.memory_space<vmem>>)
        %mul3A_116 = arith.constant 80 : i32
        %mul3A_117 = arith.muli %add3A_92, %mul3A_116 : i32
        %scan3A_118 = arith.constant 0 : i32
        %scan3A_119 = arith.constant 0 : i32
        %scan3A_120 = arith.constant 5 : i32
        %scan3A_121 = arith.addi %scan3A_119, %scan3A_120 : i32
        %scan3A_122 = arith.constant 1 : i32
        scf.for %scan3A_124 = %scan3A_119 to %scan3A_121 step %scan3A_122  : i32 {
          %broadcast_in_dim3A = arith.constant 0.000000e+00 : f32
          %broadcast_in_dim3A_125 = vector.broadcast %broadcast_in_dim3A : f32 to vector<16xf32>
          %scan3A_126 = arith.constant 0 : i32
          %scan3A_127 = arith.constant 4 : i32
          %scan3A_128 = arith.addi %scan3A_126, %scan3A_127 : i32
          %scan3A_129 = arith.constant 1 : i32
          %scan3A_130 = scf.for %scan3A_136 = %scan3A_126 to %scan3A_128 step %scan3A_129 iter_args(%scan3A_137 = %broadcast_in_dim3A_125) -> (vector<16xf32>)  : i32 {
            %mul3A_138 = arith.constant 4 : i32
            %mul3A_139 = arith.muli %scan3A_136, %mul3A_138 : i32
            %add3A_140 = arith.constant 0 : i32
            %add3A_141 = arith.addi %mul3A_139, %add3A_140 : i32
            %mul3A_142 = arith.constant 16 : i32
            %mul3A_143 = arith.muli %scan3A_124, %mul3A_142 : i32
            %add3A_144 = arith.addi %mul3A_143, %add3A_141 : i32
            %get3A = arith.index_cast %add3A_144 : i32 to index
            %get3A_145 = arith.constant 0 : index
            %get3A_146 = tpu.vector_load %arg14[%get3A, %get3A_145] {strides = array<i32>} : memref<80x128xbf16, #tpu.memory_space<vmem>>, vector<32xbf16>,
            %get3A_147 = arith.index_cast %add3A_144 : i32 to index
            %get3A_148 = arith.constant 0 : index
            %get3A_149 = tpu.vector_load %arg15[%get3A_147, %get3A_148] {strides = array<i32>} : memref<80x128xbf16, #tpu.memory_space<vmem>>, vector<32xbf16>,
            %mul3A_150 = arith.mulf %get3A_146, %get3A_149 : vector<32xbf16>
            %get3A_151 = arith.index_cast %add3A_144 : i32 to index
            %get3A_152 = arith.constant 32 : index
            %get3A_153 = tpu.vector_load %arg14[%get3A_151, %get3A_152] {strides = array<i32>} : memref<80x128xbf16, #tpu.memory_space<vmem>>, vector<32xbf16>,
            %get3A_154 = arith.index_cast %add3A_144 : i32 to index
            %get3A_155 = arith.constant 32 : index
            %get3A_156 = tpu.vector_load %arg15[%get3A_154, %get3A_155] {strides = array<i32>} : memref<80x128xbf16, #tpu.memory_space<vmem>>, vector<32xbf16>,
            %mul3A_157 = arith.mulf %get3A_153, %get3A_156 : vector<32xbf16>
            %get3A_158 = arith.index_cast %add3A_144 : i32 to index
            %get3A_159 = arith.constant 64 : index
            %get3A_160 = tpu.vector_load %arg14[%get3A_158, %get3A_159] {strides = array<i32>} : memref<80x128xbf16, #tpu.memory_space<vmem>>, vector<32xbf16>,
            %get3A_161 = arith.index_cast %add3A_144 : i32 to index
            %get3A_162 = arith.constant 64 : index
            %get3A_163 = tpu.vector_load %arg15[%get3A_161, %get3A_162] {strides = array<i32>} : memref<80x128xbf16, #tpu.memory_space<vmem>>, vector<32xbf16>,
            %mul3A_164 = arith.mulf %get3A_160, %get3A_163 : vector<32xbf16>
            %get3A_165 = arith.index_cast %add3A_144 : i32 to index
            %get3A_166 = arith.constant 96 : index
            %get3A_167 = tpu.vector_load %arg14[%get3A_165, %get3A_166] {strides = array<i32>} : memref<80x128xbf16, #tpu.memory_space<vmem>>, vector<32xbf16>,
            %get3A_168 = arith.index_cast %add3A_144 : i32 to index
            %get3A_169 = arith.constant 96 : index
            %get3A_170 = tpu.vector_load %arg15[%get3A_168, %get3A_169] {strides = array<i32>} : memref<80x128xbf16, #tpu.memory_space<vmem>>, vector<32xbf16>,
            %mul3A_171 = arith.mulf %get3A_167, %get3A_170 : vector<32xbf16>
            %add3A_172 = arith.addf %mul3A_150, %mul3A_157 : vector<32xbf16>
            %add3A_173 = arith.addf %mul3A_164, %mul3A_171 : vector<32xbf16>
            %unpack3A = tpu.unpack_subelements %add3A_172, 0 {pack_format = #tpu.pack_format<interleaved>} : vector<32xbf16> -> vector<16xf32>
            %unpack3A_174 = tpu.unpack_subelements %add3A_172, 1 {pack_format = #tpu.pack_format<interleaved>} : vector<32xbf16> -> vector<16xf32>
            %unpack3A_175 = tpu.unpack_subelements %add3A_173, 0 {pack_format = #tpu.pack_format<interleaved>} : vector<32xbf16> -> vector<16xf32>
            %unpack3A_176 = tpu.unpack_subelements %add3A_173, 1 {pack_format = #tpu.pack_format<interleaved>} : vector<32xbf16> -> vector<16xf32>
            %add3A_177 = arith.addf %unpack3A, %unpack3A_174 : vector<16xf32>
            %add3A_178 = arith.addf %unpack3A_175, %unpack3A_176 : vector<16xf32>
            %add3A_179 = arith.addf %add3A_177, %add3A_178 : vector<16xf32>
            %reduce_sum3A = arith.constant true
            %reduce_sum3A_180 = vector.broadcast %reduce_sum3A : i1 to vector<16xi1>
            %reduce_sum3A_181 = tpu.scan <sum>, %add3A_179 masked %reduce_sum3A_180 : vector<16xf32>, vector<16xi1> -> vector<16xf32>
            %reduce_sum3A_182 = vector.extract %reduce_sum3A_181[15] : f32 from vector<16xf32>
            %eq3A = vector.broadcast %add3A_141 : i32 to vector<16xi32>
            %eq3A_183 = arith.cmpi eq, %iota3A, %eq3A : vector<16xi32>
            %broadcast_in_dim3A_184 = vector.broadcast %reduce_sum3A_182 : f32 to vector<16xf32>
            %select_n3A = arith.select %eq3A_183, %broadcast_in_dim3A_184, %scan3A_137 : vector<16xi1>, vector<16xf32>
            %mul3A_185 = arith.constant 4 : i32
            %mul3A_186 = arith.muli %scan3A_136, %mul3A_185 : i32
            %add3A_187 = arith.constant 1 : i32
            %add3A_188 = arith.addi %mul3A_186, %add3A_187 : i32
            %mul3A_189 = arith.constant 16 : i32
            %mul3A_190 = arith.muli %scan3A_124, %mul3A_189 : i32
            %add3A_191 = arith.addi %mul3A_190, %add3A_188 : i32
            %get3A_192 = arith.index_cast %add3A_191 : i32 to index
            %get3A_193 = arith.constant 0 : index
            %get3A_194 = tpu.vector_load %arg14[%get3A_192, %get3A_193] {strides = array<i32>} : memref<80x128xbf16, #tpu.memory_space<vmem>>, vector<32xbf16>,
            %get3A_195 = arith.index_cast %add3A_191 : i32 to index
            %get3A_196 = arith.constant 0 : index
            %get3A_197 = tpu.vector_load %arg15[%get3A_195, %get3A_196] {strides = array<i32>} : memref<80x128xbf16, #tpu.memory_space<vmem>>, vector<32xbf16>,
            %mul3A_198 = arith.mulf %get3A_194, %get3A_197 : vector<32xbf16>
            %get3A_199 = arith.index_cast %add3A_191 : i32 to index
            %get3A_200 = arith.constant 32 : index
            %get3A_201 = tpu.vector_load %arg14[%get3A_199, %get3A_200] {strides = array<i32>} : memref<80x128xbf16, #tpu.memory_space<vmem>>, vector<32xbf16>,
            %get3A_202 = arith.index_cast %add3A_191 : i32 to index
            %get3A_203 = arith.constant 32 : index
            %get3A_204 = tpu.vector_load %arg15[%get3A_202, %get3A_203] {strides = array<i32>} : memref<80x128xbf16, #tpu.memory_space<vmem>>, vector<32xbf16>,
            %mul3A_205 = arith.mulf %get3A_201, %get3A_204 : vector<32xbf16>
            %get3A_206 = arith.index_cast %add3A_191 : i32 to index
            %get3A_207 = arith.constant 64 : index
            %get3A_208 = tpu.vector_load %arg14[%get3A_206, %get3A_207] {strides = array<i32>} : memref<80x128xbf16, #tpu.memory_space<vmem>>, vector<32xbf16>,
            %get3A_209 = arith.index_cast %add3A_191 : i32 to index
            %get3A_210 = arith.constant 64 : index
            %get3A_211 = tpu.vector_load %arg15[%get3A_209, %get3A_210] {strides = array<i32>} : memref<80x128xbf16, #tpu.memory_space<vmem>>, vector<32xbf16>,
            %mul3A_212 = arith.mulf %get3A_208, %get3A_211 : vector<32xbf16>
            %get3A_213 = arith.index_cast %add3A_191 : i32 to index
            %get3A_214 = arith.constant 96 : index
            %get3A_215 = tpu.vector_load %arg14[%get3A_213, %get3A_214] {strides = array<i32>} : memref<80x128xbf16, #tpu.memory_space<vmem>>, vector<32xbf16>,
            %get3A_216 = arith.index_cast %add3A_191 : i32 to index
            %get3A_217 = arith.constant 96 : index
            %get3A_218 = tpu.vector_load %arg15[%get3A_216, %get3A_217] {strides = array<i32>} : memref<80x128xbf16, #tpu.memory_space<vmem>>, vector<32xbf16>,
            %mul3A_219 = arith.mulf %get3A_215, %get3A_218 : vector<32xbf16>
            %add3A_220 = arith.addf %mul3A_198, %mul3A_205 : vector<32xbf16>
            %add3A_221 = arith.addf %mul3A_212, %mul3A_219 : vector<32xbf16>
            %unpack3A_222 = tpu.unpack_subelements %add3A_220, 0 {pack_format = #tpu.pack_format<interleaved>} : vector<32xbf16> -> vector<16xf32>
            %unpack3A_223 = tpu.unpack_subelements %add3A_220, 1 {pack_format = #tpu.pack_format<interleaved>} : vector<32xbf16> -> vector<16xf32>
            %unpack3A_224 = tpu.unpack_subelements %add3A_221, 0 {pack_format = #tpu.pack_format<interleaved>} : vector<32xbf16> -> vector<16xf32>
            %unpack3A_225 = tpu.unpack_subelements %add3A_221, 1 {pack_format = #tpu.pack_format<interleaved>} : vector<32xbf16> -> vector<16xf32>
            %add3A_226 = arith.addf %unpack3A_222, %unpack3A_223 : vector<16xf32>
            %add3A_227 = arith.addf %unpack3A_224, %unpack3A_225 : vector<16xf32>
            %add3A_228 = arith.addf %add3A_226, %add3A_227 : vector<16xf32>
            %reduce_sum3A_229 = arith.constant true
            %reduce_sum3A_230 = vector.broadcast %reduce_sum3A_229 : i1 to vector<16xi1>
            %reduce_sum3A_231 = tpu.scan <sum>, %add3A_228 masked %reduce_sum3A_230 : vector<16xf32>, vector<16xi1> -> vector<16xf32>
            %reduce_sum3A_232 = vector.extract %reduce_sum3A_231[15] : f32 from vector<16xf32>
            %eq3A_233 = vector.broadcast %add3A_188 : i32 to vector<16xi32>
            %eq3A_234 = arith.cmpi eq, %iota3A, %eq3A_233 : vector<16xi32>
            %broadcast_in_dim3A_235 = vector.broadcast %reduce_sum3A_232 : f32 to vector<16xf32>
            %select_n3A_236 = arith.select %eq3A_234, %broadcast_in_dim3A_235, %select_n3A : vector<16xi1>, vector<16xf32>
            %mul3A_237 = arith.constant 4 : i32
            %mul3A_238 = arith.muli %scan3A_136, %mul3A_237 : i32
            %add3A_239 = arith.constant 2 : i32
            %add3A_240 = arith.addi %mul3A_238, %add3A_239 : i32
            %mul3A_241 = arith.constant 16 : i32
            %mul3A_242 = arith.muli %scan3A_124, %mul3A_241 : i32
            %add3A_243 = arith.addi %mul3A_242, %add3A_240 : i32
            %get3A_244 = arith.index_cast %add3A_243 : i32 to index
            %get3A_245 = arith.constant 0 : index
            %get3A_246 = tpu.vector_load %arg14[%get3A_244, %get3A_245] {strides = array<i32>} : memref<80x128xbf16, #tpu.memory_space<vmem>>, vector<32xbf16>,
            %get3A_247 = arith.index_cast %add3A_243 : i32 to index
            %get3A_248 = arith.constant 0 : index
            %get3A_249 = tpu.vector_load %arg15[%get3A_247, %get3A_248] {strides = array<i32>} : memref<80x128xbf16, #tpu.memory_space<vmem>>, vector<32xbf16>,
            %mul3A_250 = arith.mulf %get3A_246, %get3A_249 : vector<32xbf16>
            %get3A_251 = arith.index_cast %add3A_243 : i32 to index
            %get3A_252 = arith.constant 32 : index
            %get3A_253 = tpu.vector_load %arg14[%get3A_251, %get3A_252] {strides = array<i32>} : memref<80x128xbf16, #tpu.memory_space<vmem>>, vector<32xbf16>,
            %get3A_254 = arith.index_cast %add3A_243 : i32 to index
            %get3A_255 = arith.constant 32 : index
            %get3A_256 = tpu.vector_load %arg15[%get3A_254, %get3A_255] {strides = array<i32>} : memref<80x128xbf16, #tpu.memory_space<vmem>>, vector<32xbf16>,
            %mul3A_257 = arith.mulf %get3A_253, %get3A_256 : vector<32xbf16>
            %get3A_258 = arith.index_cast %add3A_243 : i32 to index
            %get3A_259 = arith.constant 64 : index
            %get3A_260 = tpu.vector_load %arg14[%get3A_258, %get3A_259] {strides = array<i32>} : memref<80x128xbf16, #tpu.memory_space<vmem>>, vector<32xbf16>,
            %get3A_261 = arith.index_cast %add3A_243 : i32 to index
            %get3A_262 = arith.constant 64 : index
            %get3A_263 = tpu.vector_load %arg15[%get3A_261, %get3A_262] {strides = array<i32>} : memref<80x128xbf16, #tpu.memory_space<vmem>>, vector<32xbf16>,
            %mul3A_264 = arith.mulf %get3A_260, %get3A_263 : vector<32xbf16>
            %get3A_265 = arith.index_cast %add3A_243 : i32 to index
            %get3A_266 = arith.constant 96 : index
            %get3A_267 = tpu.vector_load %arg14[%get3A_265, %get3A_266] {strides = array<i32>} : memref<80x128xbf16, #tpu.memory_space<vmem>>, vector<32xbf16>,
            %get3A_268 = arith.index_cast %add3A_243 : i32 to index
            %get3A_269 = arith.constant 96 : index
            %get3A_270 = tpu.vector_load %arg15[%get3A_268, %get3A_269] {strides = array<i32>} : memref<80x128xbf16, #tpu.memory_space<vmem>>, vector<32xbf16>,
            %mul3A_271 = arith.mulf %get3A_267, %get3A_270 : vector<32xbf16>
            %add3A_272 = arith.addf %mul3A_250, %mul3A_257 : vector<32xbf16>
            %add3A_273 = arith.addf %mul3A_264, %mul3A_271 : vector<32xbf16>
            %unpack3A_274 = tpu.unpack_subelements %add3A_272, 0 {pack_format = #tpu.pack_format<interleaved>} : vector<32xbf16> -> vector<16xf32>
            %unpack3A_275 = tpu.unpack_subelements %add3A_272, 1 {pack_format = #tpu.pack_format<interleaved>} : vector<32xbf16> -> vector<16xf32>
            %unpack3A_276 = tpu.unpack_subelements %add3A_273, 0 {pack_format = #tpu.pack_format<interleaved>} : vector<32xbf16> -> vector<16xf32>
            %unpack3A_277 = tpu.unpack_subelements %add3A_273, 1 {pack_format = #tpu.pack_format<interleaved>} : vector<32xbf16> -> vector<16xf32>
            %add3A_278 = arith.addf %unpack3A_274, %unpack3A_275 : vector<16xf32>
            %add3A_279 = arith.addf %unpack3A_276, %unpack3A_277 : vector<16xf32>
            %add3A_280 = arith.addf %add3A_278, %add3A_279 : vector<16xf32>
            %reduce_sum3A_281 = arith.constant true
            %reduce_sum3A_282 = vector.broadcast %reduce_sum3A_281 : i1 to vector<16xi1>
            %reduce_sum3A_283 = tpu.scan <sum>, %add3A_280 masked %reduce_sum3A_282 : vector<16xf32>, vector<16xi1> -> vector<16xf32>
            %reduce_sum3A_284 = vector.extract %reduce_sum3A_283[15] : f32 from vector<16xf32>
            %eq3A_285 = vector.broadcast %add3A_240 : i32 to vector<16xi32>
            %eq3A_286 = arith.cmpi eq, %iota3A, %eq3A_285 : vector<16xi32>
            %broadcast_in_dim3A_287 = vector.broadcast %reduce_sum3A_284 : f32 to vector<16xf32>
            %select_n3A_288 = arith.select %eq3A_286, %broadcast_in_dim3A_287, %select_n3A_236 : vector<16xi1>, vector<16xf32>
            %mul3A_289 = arith.constant 4 : i32
            %mul3A_290 = arith.muli %scan3A_136, %mul3A_289 : i32
            %add3A_291 = arith.constant 3 : i32
            %add3A_292 = arith.addi %mul3A_290, %add3A_291 : i32
            %mul3A_293 = arith.constant 16 : i32
            %mul3A_294 = arith.muli %scan3A_124, %mul3A_293 : i32
            %add3A_295 = arith.addi %mul3A_294, %add3A_292 : i32
            %get3A_296 = arith.index_cast %add3A_295 : i32 to index
            %get3A_297 = arith.constant 0 : index
            %get3A_298 = tpu.vector_load %arg14[%get3A_296, %get3A_297] {strides = array<i32>} : memref<80x128xbf16, #tpu.memory_space<vmem>>, vector<32xbf16>,
            %get3A_299 = arith.index_cast %add3A_295 : i32 to index
            %get3A_300 = arith.constant 0 : index
            %get3A_301 = tpu.vector_load %arg15[%get3A_299, %get3A_300] {strides = array<i32>} : memref<80x128xbf16, #tpu.memory_space<vmem>>, vector<32xbf16>,
            %mul3A_302 = arith.mulf %get3A_298, %get3A_301 : vector<32xbf16>
            %get3A_303 = arith.index_cast %add3A_295 : i32 to index
            %get3A_304 = arith.constant 32 : index
            %get3A_305 = tpu.vector_load %arg14[%get3A_303, %get3A_304] {strides = array<i32>} : memref<80x128xbf16, #tpu.memory_space<vmem>>, vector<32xbf16>,
            %get3A_306 = arith.index_cast %add3A_295 : i32 to index
            %get3A_307 = arith.constant 32 : index
            %get3A_308 = tpu.vector_load %arg15[%get3A_306, %get3A_307] {strides = array<i32>} : memref<80x128xbf16, #tpu.memory_space<vmem>>, vector<32xbf16>,
            %mul3A_309 = arith.mulf %get3A_305, %get3A_308 : vector<32xbf16>
            %get3A_310 = arith.index_cast %add3A_295 : i32 to index
            %get3A_311 = arith.constant 64 : index
            %get3A_312 = tpu.vector_load %arg14[%get3A_310, %get3A_311] {strides = array<i32>} : memref<80x128xbf16, #tpu.memory_space<vmem>>, vector<32xbf16>,
            %get3A_313 = arith.index_cast %add3A_295 : i32 to index
            %get3A_314 = arith.constant 64 : index
            %get3A_315 = tpu.vector_load %arg15[%get3A_313, %get3A_314] {strides = array<i32>} : memref<80x128xbf16, #tpu.memory_space<vmem>>, vector<32xbf16>,
            %mul3A_316 = arith.mulf %get3A_312, %get3A_315 : vector<32xbf16>
            %get3A_317 = arith.index_cast %add3A_295 : i32 to index
            %get3A_318 = arith.constant 96 : index
            %get3A_319 = tpu.vector_load %arg14[%get3A_317, %get3A_318] {strides = array<i32>} : memref<80x128xbf16, #tpu.memory_space<vmem>>, vector<32xbf16>,
            %get3A_320 = arith.index_cast %add3A_295 : i32 to index
            %get3A_321 = arith.constant 96 : index
            %get3A_322 = tpu.vector_load %arg15[%get3A_320, %get3A_321] {strides = array<i32>} : memref<80x128xbf16, #tpu.memory_space<vmem>>, vector<32xbf16>,
            %mul3A_323 = arith.mulf %get3A_319, %get3A_322 : vector<32xbf16>
            %add3A_324 = arith.addf %mul3A_302, %mul3A_309 : vector<32xbf16>
            %add3A_325 = arith.addf %mul3A_316, %mul3A_323 : vector<32xbf16>
            %unpack3A_326 = tpu.unpack_subelements %add3A_324, 0 {pack_format = #tpu.pack_format<interleaved>} : vector<32xbf16> -> vector<16xf32>
            %unpack3A_327 = tpu.unpack_subelements %add3A_324, 1 {pack_format = #tpu.pack_format<interleaved>} : vector<32xbf16> -> vector<16xf32>
            %unpack3A_328 = tpu.unpack_subelements %add3A_325, 0 {pack_format = #tpu.pack_format<interleaved>} : vector<32xbf16> -> vector<16xf32>
            %unpack3A_329 = tpu.unpack_subelements %add3A_325, 1 {pack_format = #tpu.pack_format<interleaved>} : vector<32xbf16> -> vector<16xf32>
            %add3A_330 = arith.addf %unpack3A_326, %unpack3A_327 : vector<16xf32>
            %add3A_331 = arith.addf %unpack3A_328, %unpack3A_329 : vector<16xf32>
            %add3A_332 = arith.addf %add3A_330, %add3A_331 : vector<16xf32>
            %reduce_sum3A_333 = arith.constant true
            %reduce_sum3A_334 = vector.broadcast %reduce_sum3A_333 : i1 to vector<16xi1>
            %reduce_sum3A_335 = tpu.scan <sum>, %add3A_332 masked %reduce_sum3A_334 : vector<16xf32>, vector<16xi1> -> vector<16xf32>
            %reduce_sum3A_336 = vector.extract %reduce_sum3A_335[15] : f32 from vector<16xf32>
            %eq3A_337 = vector.broadcast %add3A_292 : i32 to vector<16xi32>
            %eq3A_338 = arith.cmpi eq, %iota3A, %eq3A_337 : vector<16xi32>
            %broadcast_in_dim3A_339 = vector.broadcast %reduce_sum3A_336 : f32 to vector<16xf32>
            %select_n3A_340 = arith.select %eq3A_338, %broadcast_in_dim3A_339, %select_n3A_288 : vector<16xi1>, vector<16xf32>
            scf.yield %select_n3A_340 : vector<16xf32>
          }
          %scan3A_131 = arith.constant 4 : i32
          %mul3A_132 = arith.constant 16 : i32
          %mul3A_133 = arith.muli %scan3A_124, %mul3A_132 : i32
          %add3A_134 = arith.addi %mul3A_117, %mul3A_133 : i32
          %swap3A = arith.index_cast %add3A_134 : i32 to index
          %swap3A_135 = tpu.vector_load %arg7[%swap3A] {strides = array<i32>} : memref<10016xf32, #tpu.memory_space<vmem>>, vector<16xf32>,
          tpu.vector_store %arg7[%swap3A], %scan3A_130 {strides = array<i32>} : memref<10016xf32, #tpu.memory_space<vmem>>, vector<16xf32>,
        }
        %scan3A_123 = arith.constant 5 : i32
      } else {
      }
    }
    %scan3A_42 = arith.constant 32 : i32
    "tpu.region"() ({
      %run_scoped3A = tpu.sem_alloc : memref<!tpu.dma_semaphore, #tpu.memory_space<semaphore_mem>>
      %dma_start3A_43 = arith.constant 0 : i32
      %dma_start3A_44 = tpu.memref_slice %arg7[%dma_start3A_43] : memref<10016xf32, #tpu.memory_space<vmem>> -> memref<10000xf32, #tpu.memory_space<vmem>>
      %dma_start3A_45 = tpu.memref_slice %arg4[%mul3A_2] : memref<320000xf32, #tpu.memory_space<hbm>> -> memref<10000xf32, #tpu.memory_space<hbm>>
      %dma_start3A_46 = tpu.memref_slice %arg4[%mul3A_2] : memref<320000xf32, #tpu.memory_space<hbm>> -> memref<10000xf32, #tpu.memory_space<hbm>>
      %dma_start3A_47 = arith.constant 0 : i32
      %dma_start3A_48 = tpu.memref_slice %arg7[%dma_start3A_47] : memref<10016xf32, #tpu.memory_space<vmem>> -> memref<10000xf32, #tpu.memory_space<vmem>>
      tpu.enqueue_dma source(%dma_start3A_48 : memref<10000xf32, #tpu.memory_space<vmem>>) target(%dma_start3A_46 : memref<10000xf32, #tpu.memory_space<hbm>>) target_semaphore(%run_scoped3A : memref<!tpu.dma_semaphore, #tpu.memory_space<semaphore_mem>>)
      %dma_wait3A = arith.constant 0 : i32
      %dma_wait3A_49 = tpu.memref_slice %arg7[%dma_wait3A] : memref<10016xf32, #tpu.memory_space<vmem>> -> memref<10000xf32, #tpu.memory_space<vmem>>
      %dma_wait3A_50 = tpu.memref_slice %arg4[%mul3A_2] : memref<320000xf32, #tpu.memory_space<hbm>> -> memref<10000xf32, #tpu.memory_space<hbm>>
      %dma_wait3A_51 = tpu.memref_slice %arg4[%mul3A_2] : memref<320000xf32, #tpu.memory_space<hbm>> -> memref<10000xf32, #tpu.memory_space<hbm>>
      %dma_wait3A_52 = arith.constant 0 : i32
      %dma_wait3A_53 = tpu.memref_slice %arg7[%dma_wait3A_52] : memref<10016xf32, #tpu.memory_space<vmem>> -> memref<10000xf32, #tpu.memory_space<vmem>>
      tpu.wait_dma2 semaphore(%run_scoped3A : memref<!tpu.dma_semaphore, #tpu.memory_space<semaphore_mem>>) src(%dma_wait3A_53 : memref<10000xf32, #tpu.memory_space<vmem>>) dst(%dma_wait3A_51 : memref<10000xf32, #tpu.memory_space<hbm>>)
      tpu.yield
    }) : () -> ()
    return
  }
}

</mosaic_0001>

<sc_bundles>
// kernel: kernel.3.cloned.1.call-start
scs
__scs_entry_jumppad:
0x0: {  	(pc) =	sbr.rel $0x88, $3  }
0x1: {  	(tag) =	ssettag $0x0;
	lr =	simm.s32 $0x1  }
0x2: {  	[smem:$0x3F9F] =	sst lr;
	_ =	strace $0xD0000000  }
0x3: {  	_ = 	snop  }
0x4: {  	_ = 	snop  }
0x5: {  	_ = 	snop  }
0x6: {  	_ = 	snop  }
0x7: {  	_ = 	snop  }
__scs_overlays_trampoline_lowered:
0x8: {  	[smem:$0x3FAE] =	sst s0  }
0x9: {  	[smem:$0x3FAF] =	sst s1  }
0xa: {  	[smem:$0x3FB0] =	sst s2  }
0xb: {  	[smem:$0x3FB1] =	sst s3  }
0xc: {  	[smem:$0x3FB2] =	sst s4  }
0xd: {  	[smem:$0x3FB3] =	sst s5  }
0xe: {  	[smem:$0x3FB4] =	sst s6  }
0xf: {  	[smem:$0x3FB5] =	sst s7  }
0x10: {  	[smem:$0x3FB6] =	sst s8  }
0x11: {  	[smem:$0x3FB7] =	sst s9;
	s0 =	simm.s32 @!p0 $0x0  }
0x12: {  	s1 =	sld [smem:$0x3F9D];
	s0 =	simm.s32 @p0 $0x1  }
0x13: {  	[smem:$0x3FB8] =	sst s0;
	s0 =	simm.s32 @!p1 $0x0  }
0x14: {  	s2 =	sld [smem:$0x3F9C];
	s0 =	simm.s32 @p1 $0x1  }
0x15: {  	[smem:$0x3FB9] =	sst s0;
	s0 =	simm.s32 @!p2 $0x0  }
0x16: {  	s3 =	sld [smem:$0x3FDB];
	s0 =	simm.s32 @p2 $0x1  }
0x17: {  	s4 =	simm.s32 $0x1BF5;
	[smem:$0x3FBB] =	sst s0  }
0x18: {  	s0 =	sld [smem:$0x3F9E];
	_ =	swait.ge [sflag:s4], $0x0  }
0x19: {  	s7 =	sld [smem:$0x3F9F]  }
0x1a: {  	s8 =	sadd.s32 $0xFFFFE003, lr  }
0x1b: {  	s9 =	sadd.s32 $0xFFFFFEF7, lr;
	s5 =	simm.s32 $0xFFFFFFFF;
	p2 =	slt.u32 s8, $0xFFFFF086  }
0x1c: {  	p1 =	slt.u32 s9, $0xF7A;
	s5 =	simm.s32 @!p2 $0x0  }
0x1d: {  	s5 =	simm.s32 @p1 $0x1;
	p0 =	seq.s32 s7, s2  }
0x1e: {  	s7 =	smul.u32 @!p0 $0xF7A, s2;
	p2 =	seq.s32 @!p0 s5, $0x0  }
0x1f: {  	s9 =	smul.u32 $0xF7A, s1;
	s8 =	simm.s32 @!p0 $0x1BF5;
	p2 =	por !p2, p0  }
0x20: {  	[sflag:s8] =	ssyncset.s32 @!p0 $0xFFFFF086;
	s6 =	sadd.s32 @!p0 s3, s7;
	s7 =	simm.s32 @!p0 $0x108  }
0x21: {  	s3 =	sadd.s32 s3, s9;
	s6 =	sadd.s32 @!p0 $0x88, s6;
	s7 =	simm.s32 @p2 $0x1082  }
0x22: {  	[simem:s7], [sflag:s8] =	dma.local @!p0 [hbm:s6], $0xF7A  }
0x23: {  	s9 =	sor.u32 $0xD0000000, s2;
	s6 =	simm.s32 $0x108;
	_ =	swait.ge @!p0 [sflag:s8], $0x0  }
0x24: {  	s3 =	sadd.s32 $0x88, s3;
	s6 =	simm.s32 @!p1 $0x1082;
	[sflag:s4] =	ssyncset.s32 $0xFFFFF086  }
0x25: {  	[simem:s6], [sflag:s4] =	dma.local [hbm:s3], $0xF7A  }
0x26: {  	[smem:$0x3F9F] =	sst s1;
	(tag) =	ssettag s2;
	_ =	strace s9  }
0x27: {  	s1 =	sld [smem:$0x3FAF]  }
0x28: {  	s2 =	sld [smem:$0x3FB0]  }
0x29: {  	s4 =	sld [smem:$0x3FB2]  }
0x2a: {  	p0 =	seq.s32 s5, $0x0;
	s5 =	sld [smem:$0x3FB3]  }
0x2b: {  	s6 =	sld [smem:$0x3FB4]  }
0x2c: {  	s7 =	sld [smem:$0x3FB5]  }
0x2d: {  	s3 =	simm.s32 $0x108;
	s8 =	sld [smem:$0x3FB6]  }
0x2e: {  	s3 =	simm.s32 @!p0 $0x1082;
	s9 =	sld [smem:$0x3FB7]  }
0x2f: {  	lr =	sadd.s32 s0, s3;
	s0 =	sld [smem:$0x3FAE]  }
0x30: {  	s3 =	sld [smem:$0x3FB1]  }
0x31: {  	[smem:$0x3FBA] =	sst s10  }
0x32: {  	s10 =	sld [smem:$0x3FB8];
	_ =	sdelay $0x3  }
0x33: {  	p0 =	seq.s32 s10, $0x1;
	s10 =	sld [smem:$0x3FBA];
	_ =	sdelay $0x3  }
0x34: {  	[smem:$0x3FBA] =	sst s10  }
0x35: {  	s10 =	sld [smem:$0x3FB9];
	_ =	sdelay $0x3  }
0x36: {  	p1 =	seq.s32 s10, $0x1;
	s10 =	sld [smem:$0x3FBA];
	_ =	sdelay $0x3  }
0x37: {  	[smem:$0x3FBA] =	sst s10  }
0x38: {  	s10 =	sld [smem:$0x3FBB]  }
0x39: {  	_ = 	snop;
	(pc) =	sbr.ind lr, $3  }
0x3a: {  	_ = 	snop  }
0x3b: {  	_ = 	snop  }
0x3c: {  	p2 =	seq.s32 s10, $0x1;
	s10 =	sld [smem:$0x3FBA]  }
0x3d: {  	_ =	shalt  }
0x3e: {  	_ =	shalt  }
0x3f: {  	_ =	shalt  }
0x40: {  	_ =	shalt  }
0x41: {  	_ =	shalt  }
0x42: {  	_ =	shalt  }
0x43: {  	_ =	shalt  }
0x44: {  	_ =	shalt  }
0x45: {  	_ =	shalt  }
0x46: {  	_ =	shalt  }
0x47: {  	_ =	shalt  }
0x48: {  	_ =	shalt  }
0x49: {  	_ =	shalt  }
0x4a: {  	_ =	shalt  }
0x4b: {  	_ =	shalt  }
0x4c: {  	_ =	shalt  }
0x4d: {  	_ =	shalt  }
0x4e: {  	_ =	shalt  }
0x4f: {  	_ =	shalt  }
0x50: {  	_ =	shalt  }
0x51: {  	_ =	shalt  }
0x52: {  	_ =	shalt  }
0x53: {  	_ =	shalt  }
0x54: {  	_ =	shalt  }
0x55: {  	_ =	shalt  }
0x56: {  	_ =	shalt  }
0x57: {  	_ =	shalt  }
0x58: {  	_ =	shalt  }
0x59: {  	_ =	shalt  }
0x5a: {  	_ =	shalt  }
0x5b: {  	_ =	shalt  }
0x5c: {  	_ =	shalt  }
0x5d: {  	_ =	shalt  }
0x5e: {  	_ =	shalt  }
0x5f: {  	_ =	shalt  }
0x60: {  	_ =	shalt  }
0x61: {  	_ =	shalt  }
0x62: {  	_ =	shalt  }
0x63: {  	_ =	shalt  }
0x64: {  	_ =	shalt  }
0x65: {  	_ =	shalt  }
0x66: {  	_ =	shalt  }
0x67: {  	_ =	shalt  }
0x68: {  	_ =	shalt  }
0x69: {  	_ =	shalt  }
0x6a: {  	_ =	shalt  }
0x6b: {  	_ =	shalt  }
0x6c: {  	_ =	shalt  }
0x6d: {  	_ =	shalt  }
0x6e: {  	_ =	shalt  }
0x6f: {  	_ =	shalt  }
0x70: {  	_ =	shalt  }
0x71: {  	_ =	shalt  }
0x72: {  	_ =	shalt  }
0x73: {  	_ =	shalt  }
0x74: {  	_ =	shalt  }
0x75: {  	_ =	shalt  }
0x76: {  	_ =	shalt  }
0x77: {  	_ =	shalt  }
0x78: {  	_ =	shalt  }
0x79: {  	_ =	shalt  }
0x7a: {  	_ =	shalt  }
0x7b: {  	_ =	shalt  }
0x7c: {  	_ =	shalt  }
0x7d: {  	_ =	shalt  }
0x7e: {  	_ =	shalt  }
0x7f: {  	_ =	shalt  }
0x80: {  	_ =	shalt  }
0x81: {  	_ =	shalt  }
0x82: {  	_ =	shalt  }
0x83: {  	_ =	shalt  }
0x84: {  	_ =	shalt  }
0x85: {  	_ =	shalt  }
0x86: {  	_ =	shalt  }
0x87: {  	_ =	shalt  }
.Lfunc_end0:
.L_simem_size_0:
called_computation_lowered:
.L_overlay_start_0:
0x88: {  	s2 =	sld [smem:$0x3FD9]  }
0x89: {  	s3 =	sld [smem:$0x3FFE];
	_ =	sdelay $0x1  }
0x8a: {  	s1 =	srdreg.scid  }
0x8b: {  	s0 =	sand.u32 $0x1, s1  }
0x8c: {  	s17 =	sshll.u32 s0, $0xA;
	s2 =	sadd.s32 s3, s2  }
0x8d: {  	s2 =	sadd.s32 s2, s17  }
0x8e: {  	[smem:$0x3FC6] =	sst s2  }
0x8f: {  	_ = 	snop  }
0x90: {  	s2 =	sld [smem:$0x3FD0];
	(tm) =	ssettm $0x1  }
0x91: {  	s18 =	sld [smem:$0x3FFB];
	_ =	sdelay $0x3  }
0x92: {  	_ =	strace s18  }
0x93: {  	s3 =	sld [smem:$0x3FFC];
	_ =	sdelay $0x3  }
0x94: {  	_ =	strace s3  }
0x95: {  	s3 =	sld [smem:$0x3FFD];
	_ =	sdelay $0x3  }
0x96: {  	_ =	strace s3  }
0x97: {  	_ =	strace $0x8FFFFFFF  }
0x98: {  	s19 =	sld [smem:$0x3FDB];
	_ =	sdelay $0x1  }
0x99: {  	s4 =	simm.s32 $_scs_section_size  }
0x9a: {  	s5 =	simm.s32 $_size__tile_overlayer_lowered;
	s6 =	simm.s32 $_tile_overlayer_lowered  }
0x9b: {  	s22 =	simm.s32 $0x1BFF;
	s21 =	sshll.u32 s6, $0x1;
	s3 =	sadd.s32 s4, s19  }
0x9c: {  	s7 =	simm.s32 $0x0;
	s20 =	sshll.u32 s5, $0x1;
	s5 =	sadd.s32 s21, s3  }
0x9d: {  	[timem:s7], [sflag:s22] =	dma.local [hbm:s5], s20  }
0x9e: {  	_ =	swait.ge [sflag:s22], s20  }
0x9f: {  	s4 =	ssub.s32 $0x0, s20;
	[sflag:s22] =	ssyncset.done $0x0  }
0xa0: {  	[sflag:s22] =	ssyncadd.s32 s4;
	_ =	sdelay $0x1  }
0xa1: {  	s23 =	simm.s32 $0x1B8B  }
0xa2: {  	_ =	swait.ge [sflag:s23], $0x1  }
0xa3: {  	[sflag:s23] =	ssyncset.done $0x0  }
0xa4: {  	s25 =	simm.s32 $0x1B8E;
	s24 =	sld [smem:$0x3FFE];
	[sflag:s23] =	ssyncadd.s32 $0xFFFFFFFF  }
0xa5: {  	s26 =	simm.s32 $execute0_lowered;
	[smem:$0x3FD2] =	sst s25  }
0xa6: {  	s5 =	sshll.u32 s26, $0x1;
	_ =	strace $0x80000046;
	[dreg:$0x1] =	wrdreg $0xFFFFFFFF  }
0xa7: {  	s28 =	simm.s32 $_size_execute0_lowered;
	s3 =	sadd.s32 s3, s5;
	[dreg:$0x0] =	wrdreg $0x0  }
0xa8: {  	s5 =	sshll.u32 s28, $0x1;
	[dreg:$0x2] =	wrdreg s3  }
0xa9: {  	[dreg:$0x3] =	wrdreg s5  }
0xaa: {  	[dreg:$0x4] =	wrdreg $0xC0  }
0xab: {  	_ =	task [dreg:s7], $0x5FFFF  }
0xac: {  	[dreg:$0x1] =	wrdreg $0xFFFFFFFF  }
0xad: {  	[dreg:$0x0] =	wrdreg $0x60  }
0xae: {  	[dreg:$0x2] =	wrdreg s24  }
0xaf: {  	[dreg:$0x3] =	wrdreg s2  }
0xb0: {  	[dreg:$0x4] =	wrdreg $0x115400  }
0xb1: {  	[dreg:$0x5] =	wrdreg $0x9  }
0xb2: {  	_ =	task.clear_ibuf [dreg:s7], $0x6FFFF;
	_ =	strace $0x90000046  }
0xb3: {  	s29 =	simm.s32 $0x9;
	_ =	strace $0x80000048  }
0xb4: {  	_ =	swait.ge [sflag:s29], $0x1  }
0xb5: {  	[sflag:s29] =	ssyncadd.s32 $0xFFFFFFFF  }
0xb6: {  	_ =	strace $0x90000048  }
0xb7: {  	_ =	sfence  }
0xb8: {  	s30 =	sld [smem:$0x0];
	_ =	sdelay $0x2  }
0xb9: {  	s31 =	sshll.u32 s1, $0xD;
	s1 =	sshrl.u32 s1, $0x2  }
0xba: {  	s3 =	sand.u32 $0x4000, s31;
	s1 =	sadd.s32 s1, s30  }
0xbb: {  	s0 =	sor.u32 s3, s0;
	s1 =	sshll.u32 s1, $0x11  }
0xbc: {  	s0 =	sor.u32 s1, s0  }
0xbd: {  	s0 =	sadd.s32 $0x8F2B, s0  }
0xbe: {  	[sflag:s0] =	ssyncadd.remote.s32 $0x1  }
0xbf: {  	_ =	sfence.sel $0xFFFF  }
0xc0: {  	[dreg:$0x0] =	wrdreg $0xFFFFFFFF;
	(pc) =	sbr.abs _section_cstart, $3  }
0xc1: {  	[dreg:$0x1] =	wrdreg $0xFFFFFFFF  }
0xc2: {  	_ =	task.clear_ibuf [dreg:s7], $0x2FFFF;
	_ =	strace $0x9FFFFFFF  }
0xc3: {  	(tm) =	ssettm $0x7FFFFFFF  }
tec
execute0_lowered:
.L_overlay_start_1:
0x0: {  	(tag) =	ssettag $0x1  }
0x1: {  	s0 =	rddreg [dreg:$0x0]  }
0x2: {  	s1 =	rddreg [dreg:$0x1]  }
0x3: {  	s2 =	rddreg [dreg:$0x2]  }
0x4: {  	s11 =	stileid.u32;
	s3 =	srdreg.scid;
	s12 =	simm.s32 $0x2710  }
0x5: {  	s13 =	simm.s32 $0x50;
	s23 =	simm.s32 $0x1;
	s24 =	simm.s32 $0x2  }
0x6: {  	s25 =	simm.s32 $0x3;
	s26 =	simm.s32 $0x4;
	s29 =	simm.s32 $0x0  }
0x7: {  	s4 =	sand.u32 $0x1, s3;
	s5 =	sshll.u32 s11, $0x1;
	s3 =	simm.s32 $0x0  }
0x8: {  	s6 =	smul.u32 $0x13880, s11;
	s31 =	sshll.u32 s11, $0x6;
	s11 =	simm.s32 $0x5  }
0x9: {  	s5 =	sor.u32 s4, s5;
	[smem:$0x7FF] =	sst s3;
	s4 =	ssub.s32 $0x2, s4  }
0xa: {  	s5 =	smul.u32 $0x2710, s5;
	_ =	strace $0x80000047;
	s7 =	sshrl.u32 s6, $0x4  }
.Ltmp0:
0xb: {  	s28 =	sshrl.u32 s4, $0x1;
	s30 =	sshrl.u32 s6, $0x1;
	(pc) =	sbr.rel .LBB2_1-.Ltmp0, $4  }
0xc: {  	s7 =	sadd.s32 s7, s0;
	s9 =	ssub.s32 s4, s28;
	s10 =	sadd.s32 s30, s2  }
0xd: {  	s8 =	sshrl.u32 s5, $0x3;
	s4 =	sadd.s32 $0x600, s7;
	s5 =	sor.u32 $0x1C05, s31  }
0xe: {  	s9 =	smax.u32 s9, $0x1;
	s10 =	sshrl.u32 s10, $0x3;
	s0 =	sadd.s32 s8, s0  }
0xf: {  	v0 =	vlaneseq.u32;
	s8 =	sadd.s32 s1, s8;
	s6 =	sadd.s32 $0x14000, s0;
	s7 =	sadd.s32 $0x1DC40, s0  }
.LBB2_22:
0x10: {  	s29 =	sadd.s32 $0x1, s29  }
0x11: {  	p0 =	sne.s32 s29, s9  }
.Ltmp1:
0x12: {  	s0 =	simm.s32 $0x4E20;
	(pc) =	sbr.rel @!p0 .LBB2_23-.Ltmp1, $4  }
0x13: {  	[hbm4b:s8+s3] =	stream.linear.scatter [tilespmem:s0], [sflag:$0x5], $0x2710, $0x38;
	[tilespmem:$0x1B180] =	vst v63  }
0x14: {  	_ =	swait.ge [sflag:s11], $0x2710  }
0x15: {  	[sflag:s11] =	ssyncset.done $0x0  }
0x16: {  	[sflag:s11] =	ssyncadd.s32 $0xFFFFD8F0  }
.LBB2_1:
0x17: {  	[spmem:s10], [sflag:s5] =	dma.local [hbm:s4], $0x1388  }
0x18: {  	_ =	swait.ge [sflag:s11], $0x1388  }
0x19: {  	[sflag:s11] =	ssyncset.done $0x0  }
0x1a: {  	[sflag:s11] =	ssyncadd.s32 $0xFFFFEC78  }
0x1b: {  	[tilespmem:s3], [sflag:$0x5] =	stream.linear.gather [hbm4b:s6+s3], $0x2710, $0x38;
	[tilespmem:$0x1B180] =	vst v63  }
0x1c: {  	_ =	swait.ge [sflag:s11], $0x2710  }
0x1d: {  	[sflag:s11] =	ssyncset.done $0x0  }
0x1e: {  	[sflag:s11] =	ssyncadd.s32 $0xFFFFD8F0  }
0x1f: {  	[tilespmem:s12], [sflag:$0x5] =	stream.linear.gather [hbm4b:s7+s3], $0x2710, $0x38;
	[tilespmem:$0x1B180] =	vst v63  }
0x20: {  	_ =	swait.ge [sflag:s11], $0x2710  }
0x21: {  	[sflag:s11] =	ssyncset.done $0x0  }
0x22: {  	[sflag:s11] =	ssyncadd.s32 $0xFFFFD8F0  }
0x23: {  	s0 =	simm.s32 $0x7540;
	[bflag:$0x0] =	sbarrier.arrive $0xFFFF  }
0x24: {  	[tilespmem:s0], [sflag:$0x1] =	stream.indirect.gather [spmem:s2], $0x40, s3, s13, $0xb8;
	[tilespmem:$0x1B180] =	vst v63  }
0x25: {  	s18 =	simm.s32 $0x8940  }
0x26: {  	[tilespmem:s18], [sflag:$0x1] =	stream.indirect.gather [spmem:s2], $0x40, s12, s13, $0xb8;
	[tilespmem:$0x1B180] =	vst v63  }
0x27: {  	s19 =	simm.s32 $0x9D40  }
0x28: {  	[tilespmem:s19], [sflag:$0x2] =	stream.indirect.gather [spmem:s2], $0x40, s13, s13, $0xb8;
	[tilespmem:$0x1B180] =	vst v63  }
0x29: {  	s20 =	simm.s32 $0x2760;
	s1 =	simm.s32 $0xB140  }
0x2a: {  	[tilespmem:s1], [sflag:$0x2] =	stream.indirect.gather [spmem:s2], $0x40, s20, s13, $0xb8;
	[tilespmem:$0x1B180] =	vst v63  }
.Ltmp2:
0x2b: {  	_ = 	snop;
	(pc) =	sbr.rel .LBB2_2-.Ltmp2, $4  }
0x2c: {  	s21 =	simm.s32 $0xA0;
	s22 =	simm.s32 $0xC540  }
0x2d: {  	[tilespmem:s22], [sflag:$0x3] =	stream.indirect.gather [spmem:s2], $0x40, s21, s13, $0xb8;
	[tilespmem:$0x1B180] =	vst v63  }
0x2e: {  	s28 =	simm.s32 $0x27B0;
	s31 =	simm.s32 $0xD940;
	s30 =	simm.s32 $0x0  }
0x2f: {  	[tilespmem:s31], [sflag:$0x3] =	stream.indirect.gather [spmem:s2], $0x40, s28, s13, $0xb8;
	[tilespmem:$0x1B180] =	vst v63  }
.LBB2_21:
0x30: {  	s30 =	sadd.s32 $0x1, s30  }
0x31: {  	p0 =	sne.s32 s30, $0x20  }
.Ltmp3:
0x32: {  	_ = 	snop;
	(pc) =	sbr.rel @!p0 .LBB2_22-.Ltmp3, $1  }
0x33: {  	_ =	sdelay $0x3  }
.LBB2_2:
0x34: {  	s31 =	sshllo.u32 s30, $0x2  }
0x35: {  	p0 =	sgt.u32 s31, $0x7C  }
0x36: {  	s0 =	smul.u32 @!p0 $0x50, s31  }
0x37: {  	s1 =	simm.s32 @!p0 $0x50;
	s14 =	simm.s32 @!p0 $0xED40  }
0x38: {  	[tilespmem:s14], [sflag:$0x4] =	stream.indirect.gather @!p0 [spmem:s2], $0x40, s0, s1, $0xb8;
	[tilespmem:$0x1B180] =	vst v63  }
0x39: {  	s0 =	sadd.s32 @!p0 $0x2710, s0;
	s14 =	simm.s32 @!p0 $0x10140  }
0x3a: {  	[tilespmem:s14], [sflag:$0x4] =	stream.indirect.gather @!p0 [spmem:s2], $0x40, s0, s1, $0xb8;
	[tilespmem:$0x1B180] =	vst v63  }
0x3b: {  	_ =	swait.ge [sflag:s23], $0x1400  }
0x3c: {  	s28 =	smul.u32 $0x500, s30;
	[sflag:s23] =	ssyncset.done $0x0  }
0x3d: {  	s15 =	simm.s32 $0x75C0;
	[sflag:s23] =	ssyncadd.s32 $0xFFFFEC00  }
0x3e: {  	s0 =	sshll.u32 s30, $0x2;
	s1 =	sshra.s32 s28, $0x2;
	_ =	swait.ge [sflag:s23], $0x1400  }
0x3f: {  	s14 =	simm.s32 $0x89C0;
	s16 =	sadd.s32 $0x4E20, s1;
	[sflag:s23] =	ssyncset.done $0x0  }
0x40: {  	s1 =	simm.s32 $0x0;
	v1 =	vmov s16;
	s16 =	simm.s32 $0x0;
	[sflag:s23] =	ssyncadd.s32 $0xFFFFEC00  }
.LBB2_3:
0x41: {  	v2 =	vld [tilespmem:s14+$0xFFFFFF90]  }
0x42: {  	v3 =	vld [tilespmem:s14+$0x30]  }
0x43: {  	v4 =	vld [tilespmem:s15+$0x30]  }
0x44: {  	v5 =	vld [tilespmem:s14+$0x20]  }
0x45: {  	v6 =	vld [tilespmem:s15+$0x20]  }
0x46: {  	v7 =	vld [tilespmem:s14+$0x10]  }
0x47: {  	v8 =	vld [tilespmem:s14+$0xFFFFFFF0]  }
0x48: {  	v9 =	vld [tilespmem:s15+$0x0]  }
0x49: {  	v10 =	vld [tilespmem:s14+$0x0]  }
0x4a: {  	v11 =	vld [tilespmem:s15+$0xFFFFFFF0]  }
0x4b: {  	v12 =	vld [tilespmem:s14+$0xFFFFFFB0]  }
0x4c: {  	v13 =	vld [tilespmem:s15+$0x10]  }
0x4d: {  	v14 =	vld [tilespmem:s14+$0xFFFFFFE0]  }
0x4e: {  	v15 =	vld [tilespmem:s15+$0xFFFFFFB0]  }
0x4f: {  	v16 =	vld [tilespmem:s14+$0xFFFFFFA0]  }
0x50: {  	v17 =	vld [tilespmem:s14+$0xFFFFFFD0]  }
0x51: {  	v18 =	vld [tilespmem:s15+$0xFFFFFFE0]  }
0x52: {  	v19 =	vld [tilespmem:s15+$0xFFFFFFD0]  }
0x53: {  	v20 =	vld [tilespmem:s15+$0xFFFFFF80]  }
0x54: {  	v21 =	vld [tilespmem:s15+$0xFFFFFFC0]  }
0x55: {  	v22 =	vld [tilespmem:s14+$0xFFFFFFC0]  }
0x56: {  	v23 =	vld [tilespmem:s15+$0xFFFFFF90]  }
0x57: {  	v24 =	vld [tilespmem:s14+$0xFFFFFF80]  }
0x58: {  	v25 =	vld [tilespmem:s15+$0xFFFFFFA0]  }
0x59: {  	v26 =	vld [tilespmem:s14+$0x70]  }
0x5a: {  	v27 =	vld [tilespmem:s15+$0x70]  }
0x5b: {  	v28 =	vld [tilespmem:s14+$0x60]  }
0x5c: {  	v3 =	vmul.bf16 v3, v4;
	v4 =	vmul.bf16 v5, v6;
	v5 =	vld [tilespmem:s15+$0x60]  }
0x5d: {  	v6 =	vmul.bf16 v8, v11;
	v8 =	vld [tilespmem:s14+$0x50];
	v12 =	vmul.bf16 v12, v15  }
0x5e: {  	v11 =	vld [tilespmem:s15+$0x50];
	v9 =	vmul.bf16 v10, v9;
	v15 =	vmul.bf16 v22, v21  }
0x5f: {  	s17 =	sadd.s32 $0x100, s15;
	v10 =	vld [tilespmem:s14+$0x40];
	v2 =	vmul.bf16 v2, v23;
	v16 =	vmul.bf16 v16, v25;
	v3 =	vadd.bf16 v3, v4  }
0x60: {  	s20 =	sadd.s32 $0x100, s14;
	v22 =	vld [tilespmem:s17+$0xFFFFFFC0];
	v4 =	vmul.bf16 v7, v13;
	v7 =	vmul.bf16 v14, v18  }
0x61: {  	v13 =	vmul.bf16 v17, v19;
	v17 =	vld [tilespmem:s20+$0x30];
	v12 =	vadd.bf16 v12, v16;
	v14 =	vunpack.i.u.bf16.f32 v3  }
0x62: {  	v6 =	vadd.bf16 v6, v7;
	v7 =	vld [tilespmem:s15+$0x40];
	v3 =	vunpack.i.l.bf16.f32 v3;
	v4 =	vadd.bf16 v4, v9  }
0x63: {  	v9 =	vld [tilespmem:s20+$0xFFFFFF90];
	v13 =	vadd.bf16 v13, v15;
	v3 =	vadd.f32 v3, v14;
	v14 =	vmul.bf16 v24, v20  }
0x64: {  	v15 =	vld [tilespmem:s17+$0x20];
	v18 =	vunpack.i.u.bf16.f32 v6;
	v19 =	vunpack.i.u.bf16.f32 v4;
	v6 =	vunpack.i.l.bf16.f32 v6  }
0x65: {  	v20 =	vld [tilespmem:s17+$0x30];
	v4 =	vunpack.i.l.bf16.f32 v4;
	v21 =	vunpack.i.u.bf16.f32 v13;
	v2 =	vadd.bf16 v2, v14  }
0x66: {  	v14 =	vld [tilespmem:s20+$0x20];
	v4 =	vadd.f32 v4, v19;
	v19 =	vunpack.i.u.bf16.f32 v12;
	v12 =	vunpack.i.l.bf16.f32 v12  }
0x67: {  	v13 =	vunpack.i.l.bf16.f32 v13;
	v6 =	vadd.f32 v6, v18;
	v18 =	vld [tilespmem:s20+$0x10];
	v12 =	vadd.f32 v12, v19  }
0x68: {  	v19 =	vld [tilespmem:s17+$0x0];
	v16 =	vunpack.i.u.bf16.f32 v2;
	v2 =	vunpack.i.l.bf16.f32 v2;
	v3 =	vadd.f32 v3, v4  }
0x69: {  	v4 =	vadd.f32 v13, v21;
	v13 =	vld [tilespmem:s20+$0x0];
	v2 =	vadd.f32 v2, v16  }
0x6a: {  	v7 =	vmul.bf16 v10, v7;
	v10 =	vld [tilespmem:s20+$0xFFFFFFE0]  }
0x6b: {  	v16 =	vld [tilespmem:s20+$0xFFFFFFF0];
	v2 =	vadd.f32 v12, v2  }
0x6c: {  	(xrf2) =	vadd.scan.msk.f32 $0xffff, v3;
	v3 =	vadd.f32 v6, v4;
	v4 =	vld [tilespmem:s20+$0xFFFFFFB0];
	v6 =	vmul.bf16 v8, v11  }
0x6d: {  	v5 =	vmul.bf16 v28, v5;
	v8 =	vmul.bf16 v26, v27;
	v12 =	vld [tilespmem:s17+$0xFFFFFFF0];
	(xrf2) =	vadd.scan.msk.f32 $0xffff, v2  }
0x6e: {  	v14 =	vmul.bf16 v14, v15;
	v15 =	vld [tilespmem:s20+$0xFFFFFFD0];
	(xrf2) =	vadd.scan.msk.f32 $0xffff, v3;
	v3 =	vadd.bf16 v6, v7  }
0x6f: {  	v5 =	vadd.bf16 v8, v5;
	v8 =	vld [tilespmem:s20+$0xFFFFFFA0];
	v13 =	vmul.bf16 v13, v19  }
0x70: {  	v2 =	vld [tilespmem:s17+$0x10];
	v7 =	vmul.bf16 v17, v20;
	v11 =	vunpack.i.u.bf16.f32 v3;
	v3 =	vunpack.i.l.bf16.f32 v3  }
0x71: {  	v19 =	vld [tilespmem:s17+$0xFFFFFFA0];
	v3 =	vadd.f32 v3, v11;
	v11 =	vunpack.i.u.bf16.f32 v5;
	v5 =	vunpack.i.l.bf16.f32 v5  }
0x72: {  	v17 =	vld [tilespmem:s17+$0xFFFFFFE0];
	v5 =	vadd.f32 v5, v11  }
0x73: {  	v6 =	vld [tilespmem:s17+$0xFFFFFFB0];
	v7 =	vadd.bf16 v7, v14  }
0x74: {  	v11 =	vld [tilespmem:s17+$0xFFFFFFD0];
	v3 =	vadd.f32 v5, v3  }
0x75: {  	v14 =	vld [tilespmem:s17+$0xFFFFFF80];
	v21 =	vunpack.i.u.bf16.f32 v7  }
0x76: {  	s18 =	simm.s32 $0x1;
	v5 =	vunpack.i.l.bf16.f32 v7;
	v7 =	vmul.bf16 v16, v12;
	v16 =	vmul.bf16 v18, v2;
	v18 =	vld [tilespmem:s20+$0xFFFFFFC0]  }
0x77: {  	v23 =	vmov s18;
	v12, _, _ =	vpop (xrf2);
	v2 =	vadd.f32 v5, v21;
	v5 =	vmul.bf16 v10, v17;
	v10 =	vld [tilespmem:s20+$0xFFFFFF80];
	(xrf2) =	vadd.scan.msk.f32 $0xffff, v3  }
0x78: {  	v20 =	vimm.f32 $0.0e+00;
	v8 =	vmul.bf16 v8, v19;
	v21 =	vmul.bf16 v4, v6;
	v4 =	vld [tilespmem:s17+$0xFFFFFF90];
	v3, _, _ =	vpop (xrf2)  }
0x79: {  	v16 =	vadd.bf16 v16, v13;
	v15 =	vmul.bf16 v15, v11;
	v11 =	vadd.bf16 v7, v5;
	v17, _, _ =	vpop (xrf2)  }
0x7a: {  	v5 =	vld [tilespmem:s20+$0x70];
	v6 =	vbroadcast v3, $0xF;
	v3 =	vmov s1;
	v17 =	vbroadcast v17, $0xF  }
0x7b: {  	v7 =	vld [tilespmem:s17+$0x70];
	vm0 =	veq.s32 v3, v0;
	v3 =	vbroadcast v12, $0xF;
	v12 =	vmul.bf16 v18, v22  }
0x7c: {  	v22 =	vunpack.i.u.bf16.f32 v11;
	v10 =	vmul.bf16 v10, v14;
	v14 =	vunpack.i.l.bf16.f32 v11;
	v11 =	vld [tilespmem:s20+$0x50]  }
0x7d: {  	v18 =	vsel vm0, v6, v20;
	v20 =	vmul.bf16 v9, v4;
	v4 =	vld [tilespmem:s20+$0x60];
	vm0 =	veq.s32 v23, v0  }
0x7e: {  	s28 =	simm.s32 $0x2;
	v13 =	vunpack.i.u.bf16.f32 v16;
	v6 =	vld [tilespmem:s17+$0x60];
	v9 =	vsel vm0, v17, v18;
	v19 =	vadd.bf16 v15, v12  }
0x7f: {  	s21 =	simm.s32 $0x3;
	v17 =	vmov s28;
	v15 =	vld [tilespmem:s17+$0x50];
	v12 =	vadd.bf16 v21, v8;
	v18 =	vadd.bf16 v20, v10  }
0x80: {  	v21 =	vunpack.i.l.bf16.f32 v16;
	v16 =	vmov s21;
	v10 =	vadd.f32 v14, v22;
	v14 =	vld [tilespmem:s20+$0x40]  }
0x81: {  	s19 =	simm.s32 $0x8;
	s18 =	simm.s32 $0x4;
	vm0 =	veq.s32 v17, v0;
	v20 =	vld [tilespmem:s17+$0x40];
	s20 =	sadd.s32 $0x100, s20;
	v17 =	vunpack.i.u.bf16.f32 v18;
	v18 =	vunpack.i.l.bf16.f32 v18;
	v8, _, _ =	vpop (xrf2)  }
.LBB2_4:
0x82: {  	p1 =	sne.s32 s19, $0xC  }
0x83: {  	v22 =	vld [tilespmem:s20+$0xFFFFFF90];
	v23 =	vunpack.i.u.bf16.f32 v19;
	v13 =	vadd.f32 v21, v13;
	s17 =	sadd.s32 $0x100, s17;
	v3 =	vsel vm0, v3, v9;
	s21 =	smov.u32 s19;
	s19 =	sadd.s32 $0x4, s19  }
0x84: {  	v19 =	vunpack.i.l.bf16.f32 v19;
	v5 =	vmul.bf16 v5, v7;
	v7 =	vbroadcast v8, $0xF;
	v9 =	vld [tilespmem:s20+$0x30]  }
0x85: {  	vm0 =	veq.s32 v16, v0;
	v8 =	vld [tilespmem:s17+$0x30];
	v2 =	vadd.f32 v2, v13;
	v11 =	vmul.bf16 v11, v15  }
0x86: {  	v15 =	vadd.f32 v19, v23;
	v16 =	vsel vm0, v7, v3;
	v13 =	vld [tilespmem:s20+$0x20]  }
0x87: {  	v7 =	vunpack.i.u.bf16.f32 v12;
	v12 =	vunpack.i.l.bf16.f32 v12;
	v3 =	vld [tilespmem:s17+$0x20];
	v14 =	vmul.bf16 v14, v20;
	(xrf2) =	vadd.scan.msk.f32 $0xffff, v2  }
0x88: {  	v7 =	vadd.f32 v12, v7;
	v2 =	vadd.f32 v18, v17;
	v19 =	vld [tilespmem:s20+$0x10]  }
0x89: {  	v4 =	vmul.bf16 v4, v6;
	v10 =	vadd.f32 v10, v15;
	v12 =	vld [tilespmem:s20+$0xFFFFFFF0];
	v6 =	vadd.bf16 v11, v14  }
0x8a: {  	v2 =	vadd.f32 v7, v2;
	v11 =	vld [tilespmem:s17+$0x0];
	v8 =	vmul.bf16 v9, v8  }
0x8b: {  	v4 =	vadd.bf16 v5, v4;
	v7 =	vld [tilespmem:s20+$0x0];
	v5 =	vunpack.i.u.bf16.f32 v6;
	v6 =	vunpack.i.l.bf16.f32 v6  }
0x8c: {  	v9 =	vld [tilespmem:s17+$0xFFFFFFF0];
	v3 =	vmul.bf16 v13, v3;
	v5 =	vadd.f32 v6, v5;
	(xrf2) =	vadd.scan.msk.f32 $0xffff, v2  }
0x8d: {  	v2 =	vunpack.i.u.bf16.f32 v4;
	v4 =	vunpack.i.l.bf16.f32 v4;
	v6 =	vld [tilespmem:s20+$0xFFFFFFB0]  }
0x8e: {  	v2 =	vadd.f32 v4, v2;
	v13 =	vld [tilespmem:s17+$0x10];
	v17 =	vadd.bf16 v8, v3  }
0x8f: {  	v4 =	vld [tilespmem:s20+$0xFFFFFFE0];
	(xrf2) =	vadd.scan.msk.f32 $0xffff, v10  }
0x90: {  	v5 =	vadd.f32 v2, v5;
	v8 =	vld [tilespmem:s17+$0xFFFFFFB0];
	v10 =	vunpack.i.u.bf16.f32 v17;
	v15 =	vunpack.i.l.bf16.f32 v17  }
0x91: {  	v14 =	vld [tilespmem:s20+$0xFFFFFFA0];
	v9 =	vmul.bf16 v12, v9;
	v2 =	vadd.f32 v15, v10;
	v3, _, _ =	vpop (xrf2)  }
0x92: {  	v10 =	vld [tilespmem:s20+$0xFFFFFFD0];
	(xrf2) =	vadd.scan.msk.f32 $0xffff, v5  }
0x93: {  	v5 =	vld [tilespmem:s17+$0xFFFFFFE0];
	v12 =	vmul.bf16 v19, v13  }
0x94: {  	v13 =	vld [tilespmem:s17+$0xFFFFFFD0]  }
0x95: {  	v15 =	vld [tilespmem:s17+$0xFFFFFF80];
	v17 =	vmul.bf16 v6, v8  }
0x96: {  	v6 =	vld [tilespmem:s17+$0xFFFFFFC0];
	v8, _, _ =	vpop (xrf2)  }
0x97: {  	v18 =	vld [tilespmem:s20+$0xFFFFFFC0];
	v8 =	vbroadcast v8, $0xF  }
0x98: {  	v19 =	vld [tilespmem:s17+$0xFFFFFF90];
	v4 =	vmul.bf16 v4, v5  }
0x99: {  	v7 =	vmul.bf16 v7, v11;
	v11 =	vmov s18;
	v20 =	vld [tilespmem:s20+$0xFFFFFF80];
	v5, _, _ =	vpop (xrf2)  }
0x9a: {  	s22 =	sadd.s32 $0x1, s18;
	v10 =	vmul.bf16 v10, v13;
	v21 =	vld [tilespmem:s17+$0xFFFFFFA0];
	v23 =	vadd.bf16 v9, v4;
	v9 =	vbroadcast v5, $0xF  }
0x9b: {  	vm0 =	veq.s32 v11, v0;
	v11 =	vmov s22;
	v3 =	vbroadcast v3, $0xF;
	v5 =	vld [tilespmem:s20+$0x70]  }
0x9c: {  	v24 =	vadd.bf16 v12, v7;
	v12 =	vsel vm0, v8, v16;
	v18 =	vmul.bf16 v18, v6;
	v7 =	vld [tilespmem:s17+$0x70];
	v8, _, _ =	vpop (xrf2)  }
0x9d: {  	s22 =	sadd.s32 $0x2, s18;
	vm0 =	veq.s32 v11, v0;
	v16 =	vmul.bf16 v22, v19;
	v22 =	vunpack.i.u.bf16.f32 v23;
	v4 =	vld [tilespmem:s20+$0x60]  }
.Ltmp4:
0x9e: {  	v13 =	vunpack.i.u.bf16.f32 v24;
	v9 =	vsel vm0, v9, v12;
	v15 =	vmul.bf16 v20, v15;
	v6 =	vld [tilespmem:s17+$0x60];
	(pc) =	sbr.rel @p1 .LBB2_4-.Ltmp4, $4  }
0x9f: {  	v20 =	vmov s22;
	v12 =	vmul.bf16 v14, v21;
	v14 =	vunpack.i.l.bf16.f32 v23;
	v11 =	vld [tilespmem:s20+$0x50]  }
0xa0: {  	v19 =	vadd.bf16 v10, v18;
	vm0 =	veq.s32 v20, v0;
	v16 =	vadd.bf16 v16, v15;
	v15 =	vld [tilespmem:s17+$0x50]  }
0xa1: {  	s22 =	sadd.s32 $0x3, s18;
	s18 =	smov.u32 s21;
	v21 =	vunpack.i.l.bf16.f32 v24;
	v10 =	vadd.f32 v14, v22;
	v12 =	vadd.bf16 v17, v12;
	v14 =	vld [tilespmem:s20+$0x40]  }
0xa2: {  	s20 =	sadd.s32 $0x100, s20;
	v17 =	vunpack.i.u.bf16.f32 v16;
	v18 =	vunpack.i.l.bf16.f32 v16;
	v20 =	vld [tilespmem:s17+$0x40];
	v16 =	vmov s22  }
0xa3: {  	_ = 	snop  }
0xa4: {  	v22 =	vunpack.i.u.bf16.f32 v19;
	v13 =	vadd.f32 v21, v13  }
0xa5: {  	v46 =	vunpack.i.l.bf16.f32 v19;
	v5 =	vmul.bf16 v5, v7;
	v49 =	vunpack.i.u.bf16.f32 v12  }
0xa6: {  	v50 =	vunpack.i.l.bf16.f32 v12;
	v17 =	vadd.f32 v18, v17;
	v4 =	vmul.bf16 v4, v6  }
0xa7: {  	v48 =	vadd.f32 v46, v22;
	v47 =	vmul.bf16 v11, v15;
	v14 =	vmul.bf16 v14, v20  }
0xa8: {  	v51 =	vadd.f32 v50, v49;
	v4 =	vadd.bf16 v5, v4  }
0xa9: {  	v2 =	vadd.f32 v2, v13;
	v7 =	vadd.bf16 v47, v14  }
0xaa: {  	v52 =	vadd.f32 v10, v48;
	v6 =	vadd.f32 v51, v17;
	v54 =	vunpack.i.u.bf16.f32 v4  }
0xab: {  	(xrf2) =	vadd.scan.msk.f32 $0xffff, v2;
	v4 =	vunpack.i.l.bf16.f32 v4;
	v53 =	vunpack.i.u.bf16.f32 v7;
	v2 =	vunpack.i.l.bf16.f32 v7  }
0xac: {  	v4 =	vadd.f32 v4, v54;
	v2 =	vadd.f32 v2, v53  }
0xad: {  	(xrf2) =	vadd.scan.msk.f32 $0xffff, v6  }
0xae: {  	(xrf2) =	vadd.scan.msk.f32 $0xffff, v52;
	v2 =	vadd.f32 v4, v2;
	_ =	sdelay $0x1  }
0xaf: {  	(xrf2) =	vadd.scan.msk.f32 $0xffff, v2;
	_ =	sdelay $0x5  }
0xb0: {  	v55 =	vbroadcast v8, $0xF;
	v58 =	vmov s18;
	v2, _, _ =	vpop (xrf2)  }
0xb1: {  	v3 =	vsel vm0, v3, v9;
	vm11 =	veq.s32 v16, v0;
	s17 =	sadd.s32 $0x1, s18;
	s21 =	sadd.s32 $0x2, s18;
	vm12 =	veq.s32 v58, v0;
	v56, _, _ =	vpop (xrf2)  }
0xb2: {  	s22 =	sadd.s32 $0x3, s18;
	s28 =	sshll.u32 s16, $0x4;
	s16 =	sadd.s32 $0x1, s16;
	v60 =	vmov s17;
	v62 =	vmov s21;
	v57 =	vbroadcast v56, $0xF;
	v59, _, _ =	vpop (xrf2)  }
0xb3: {  	v63 =	vmov s22;
	p1 =	sne.s32 s16, $0x5;
	v3 =	vsel vm11, v55, v3;
	v6 =	vbroadcast v59, $0xF  }
.Ltmp5:
0xb4: {  	vm13 =	veq.s32 v60, v0;
	v2 =	vbroadcast v2, $0xF;
	v3 =	vsel vm12, v57, v3;
	v61, _, _ =	vpop (xrf2);
	(pc) =	sbr.rel @p1 .LBB2_3-.Ltmp5, $4  }
0xb5: {  	vm14 =	veq.s32 v62, v0;
	v3 =	vsel vm13, v6, v3;
	v4 =	vbroadcast v61, $0xF  }
0xb6: {  	vm15 =	veq.s32 v63, v0;
	v2 =	vsel vm14, v2, v3  }
0xb7: {  	s17 =	sand.u32 $0x3FFFFFF0, s28;
	v2 =	vsel vm15, v4, v2  }
0xb8: {  	s14 =	sadd.s32 $0x400, s14;
	s15 =	sadd.s32 $0x400, s15;
	[tilespmem:v1+s17+$0x0 ss:$0x1] =	vst.idx.msk $0xffff, v2  }
0xb9: {  	p1 =	seq.s32 s30, $0x1F  }
0xba: {  	s14 =	smul.u32 @!p1 $0x140, s30;
	_ =	sdelay $0x1  }
0xbb: {  	s15 =	simm.s32 @!p1 $0x50;
	s16 =	simm.s32 @!p1 $0x7540;
	s1 =	sadd.s32 @!p1 $0x140, s14  }
0xbc: {  	[tilespmem:s16], [sflag:$0x1] =	stream.indirect.gather @!p1 [spmem:s2], $0x40, s1, s15, $0xb8;
	[tilespmem:$0x1B180] =	vst v63  }
0xbd: {  	s14 =	sadd.s32 @!p1 $0x2850, s14;
	s1 =	sor.u32 $0x1, s0;
	s16 =	simm.s32 @!p1 $0x8940  }
0xbe: {  	[tilespmem:s16], [sflag:$0x1] =	stream.indirect.gather @!p1 [spmem:s2], $0x40, s14, s15, $0xb8;
	[tilespmem:$0x1B180] =	vst v63  }
0xbf: {  	p1 =	sgt.u32 s1, $0x7C  }
.Ltmp6:
0xc0: {  	_ = 	snop;
	(pc) =	sbr.rel @p1 .LBB2_11-.Ltmp6, $1  }
0xc1: {  	_ =	sdelay $0x3  }
0xc2: {  	_ =	swait.ge [sflag:s24], $0x1400  }
0xc3: {  	s1 =	smul.u32 $0x140, s1;
	[sflag:s24] =	ssyncset.done $0x0  }
0xc4: {  	[sflag:s24] =	ssyncadd.s32 $0xFFFFEC00  }
0xc5: {  	s14 =	simm.s32 $0xB1C0;
	s1 =	sshra.s32 s1, $0x2;
	_ =	swait.ge [sflag:s24], $0x1400  }
0xc6: {  	s15 =	simm.s32 $0x9DC0;
	s16 =	sadd.s32 $0x4E20, s1;
	[sflag:s24] =	ssyncset.done $0x0  }
0xc7: {  	s1 =	simm.s32 $0x0;
	v1 =	vmov s16;
	s16 =	simm.s32 $0x0;
	[sflag:s24] =	ssyncadd.s32 $0xFFFFEC00  }
.LBB2_8:
0xc8: {  	v2 =	vld [tilespmem:s14+$0xFFFFFF90]  }
0xc9: {  	v3 =	vld [tilespmem:s14+$0x30]  }
0xca: {  	v4 =	vld [tilespmem:s15+$0x30]  }
0xcb: {  	v5 =	vld [tilespmem:s14+$0x20]  }
0xcc: {  	v6 =	vld [tilespmem:s15+$0x20]  }
0xcd: {  	v7 =	vld [tilespmem:s14+$0x10]  }
0xce: {  	v8 =	vld [tilespmem:s14+$0xFFFFFFF0]  }
0xcf: {  	v9 =	vld [tilespmem:s15+$0x0]  }
0xd0: {  	v10 =	vld [tilespmem:s14+$0x0]  }
0xd1: {  	v11 =	vld [tilespmem:s15+$0xFFFFFFF0]  }
0xd2: {  	v12 =	vld [tilespmem:s14+$0xFFFFFFB0]  }
0xd3: {  	v13 =	vld [tilespmem:s15+$0x10]  }
0xd4: {  	v14 =	vld [tilespmem:s14+$0xFFFFFFE0]  }
0xd5: {  	v15 =	vld [tilespmem:s15+$0xFFFFFFB0]  }
0xd6: {  	v16 =	vld [tilespmem:s14+$0xFFFFFFA0]  }
0xd7: {  	v17 =	vld [tilespmem:s14+$0xFFFFFFD0]  }
0xd8: {  	v18 =	vld [tilespmem:s15+$0xFFFFFFE0]  }
0xd9: {  	v19 =	vld [tilespmem:s15+$0xFFFFFFD0]  }
0xda: {  	v20 =	vld [tilespmem:s15+$0xFFFFFF80]  }
0xdb: {  	v21 =	vld [tilespmem:s15+$0xFFFFFFC0]  }
0xdc: {  	v22 =	vld [tilespmem:s14+$0xFFFFFFC0]  }
0xdd: {  	v23 =	vld [tilespmem:s15+$0xFFFFFF90]  }
0xde: {  	v24 =	vld [tilespmem:s14+$0xFFFFFF80]  }
0xdf: {  	v25 =	vld [tilespmem:s15+$0xFFFFFFA0]  }
0xe0: {  	v26 =	vld [tilespmem:s14+$0x70]  }
0xe1: {  	v27 =	vld [tilespmem:s15+$0x70]  }
0xe2: {  	v28 =	vld [tilespmem:s14+$0x60]  }
0xe3: {  	v3 =	vmul.bf16 v3, v4;
	v4 =	vmul.bf16 v5, v6;
	v5 =	vld [tilespmem:s15+$0x60]  }
0xe4: {  	v6 =	vmul.bf16 v8, v11;
	v8 =	vld [tilespmem:s14+$0x50];
	v12 =	vmul.bf16 v12, v15  }
0xe5: {  	v11 =	vld [tilespmem:s15+$0x50];
	v9 =	vmul.bf16 v10, v9;
	v15 =	vmul.bf16 v22, v21  }
0xe6: {  	s17 =	sadd.s32 $0x100, s15;
	v10 =	vld [tilespmem:s14+$0x40];
	v2 =	vmul.bf16 v2, v23;
	v16 =	vmul.bf16 v16, v25;
	v3 =	vadd.bf16 v3, v4  }
0xe7: {  	s20 =	sadd.s32 $0x100, s14;
	v22 =	vld [tilespmem:s17+$0xFFFFFFC0];
	v4 =	vmul.bf16 v7, v13;
	v7 =	vmul.bf16 v14, v18  }
0xe8: {  	v13 =	vmul.bf16 v17, v19;
	v17 =	vld [tilespmem:s20+$0x30];
	v12 =	vadd.bf16 v12, v16;
	v14 =	vunpack.i.u.bf16.f32 v3  }
0xe9: {  	v6 =	vadd.bf16 v6, v7;
	v7 =	vld [tilespmem:s15+$0x40];
	v3 =	vunpack.i.l.bf16.f32 v3;
	v4 =	vadd.bf16 v4, v9  }
0xea: {  	v9 =	vld [tilespmem:s20+$0xFFFFFF90];
	v13 =	vadd.bf16 v13, v15;
	v3 =	vadd.f32 v3, v14;
	v14 =	vmul.bf16 v24, v20  }
0xeb: {  	v15 =	vld [tilespmem:s17+$0x20];
	v18 =	vunpack.i.u.bf16.f32 v6;
	v19 =	vunpack.i.u.bf16.f32 v4;
	v6 =	vunpack.i.l.bf16.f32 v6  }
0xec: {  	v20 =	vld [tilespmem:s17+$0x30];
	v4 =	vunpack.i.l.bf16.f32 v4;
	v21 =	vunpack.i.u.bf16.f32 v13;
	v2 =	vadd.bf16 v2, v14  }
0xed: {  	v14 =	vld [tilespmem:s20+$0x20];
	v4 =	vadd.f32 v4, v19;
	v19 =	vunpack.i.u.bf16.f32 v12;
	v12 =	vunpack.i.l.bf16.f32 v12  }
0xee: {  	v13 =	vunpack.i.l.bf16.f32 v13;
	v6 =	vadd.f32 v6, v18;
	v18 =	vld [tilespmem:s20+$0x10];
	v12 =	vadd.f32 v12, v19  }
0xef: {  	v19 =	vld [tilespmem:s17+$0x0];
	v16 =	vunpack.i.u.bf16.f32 v2;
	v2 =	vunpack.i.l.bf16.f32 v2;
	v3 =	vadd.f32 v3, v4  }
0xf0: {  	v4 =	vadd.f32 v13, v21;
	v13 =	vld [tilespmem:s20+$0x0];
	v2 =	vadd.f32 v2, v16  }
0xf1: {  	v7 =	vmul.bf16 v10, v7;
	v10 =	vld [tilespmem:s20+$0xFFFFFFE0]  }
0xf2: {  	v16 =	vld [tilespmem:s20+$0xFFFFFFF0];
	v2 =	vadd.f32 v12, v2  }
0xf3: {  	(xrf2) =	vadd.scan.msk.f32 $0xffff, v3;
	v3 =	vadd.f32 v6, v4;
	v4 =	vld [tilespmem:s20+$0xFFFFFFB0];
	v6 =	vmul.bf16 v8, v11  }
0xf4: {  	v5 =	vmul.bf16 v28, v5;
	v8 =	vmul.bf16 v26, v27;
	v12 =	vld [tilespmem:s17+$0xFFFFFFF0];
	(xrf2) =	vadd.scan.msk.f32 $0xffff, v2  }
0xf5: {  	v14 =	vmul.bf16 v14, v15;
	v15 =	vld [tilespmem:s20+$0xFFFFFFD0];
	(xrf2) =	vadd.scan.msk.f32 $0xffff, v3;
	v3 =	vadd.bf16 v6, v7  }
0xf6: {  	v5 =	vadd.bf16 v8, v5;
	v8 =	vld [tilespmem:s20+$0xFFFFFFA0];
	v13 =	vmul.bf16 v13, v19  }
0xf7: {  	v2 =	vld [tilespmem:s17+$0x10];
	v7 =	vmul.bf16 v17, v20;
	v11 =	vunpack.i.u.bf16.f32 v3;
	v3 =	vunpack.i.l.bf16.f32 v3  }
0xf8: {  	v19 =	vld [tilespmem:s17+$0xFFFFFFA0];
	v3 =	vadd.f32 v3, v11;
	v11 =	vunpack.i.u.bf16.f32 v5;
	v5 =	vunpack.i.l.bf16.f32 v5  }
0xf9: {  	v17 =	vld [tilespmem:s17+$0xFFFFFFE0];
	v5 =	vadd.f32 v5, v11  }
0xfa: {  	v6 =	vld [tilespmem:s17+$0xFFFFFFB0];
	v7 =	vadd.bf16 v7, v14  }
0xfb: {  	v11 =	vld [tilespmem:s17+$0xFFFFFFD0];
	v3 =	vadd.f32 v5, v3  }
0xfc: {  	v14 =	vld [tilespmem:s17+$0xFFFFFF80];
	v21 =	vunpack.i.u.bf16.f32 v7  }
0xfd: {  	s18 =	simm.s32 $0x1;
	v5 =	vunpack.i.l.bf16.f32 v7;
	v7 =	vmul.bf16 v16, v12;
	v16 =	vmul.bf16 v18, v2;
	v18 =	vld [tilespmem:s20+$0xFFFFFFC0]  }
0xfe: {  	v23 =	vmov s18;
	v12, _, _ =	vpop (xrf2);
	v2 =	vadd.f32 v5, v21;
	v5 =	vmul.bf16 v10, v17;
	v10 =	vld [tilespmem:s20+$0xFFFFFF80];
	(xrf2) =	vadd.scan.msk.f32 $0xffff, v3  }
0xff: {  	v20 =	vimm.f32 $0.0e+00;
	v8 =	vmul.bf16 v8, v19;
	v21 =	vmul.bf16 v4, v6;
	v4 =	vld [tilespmem:s17+$0xFFFFFF90];
	v3, _, _ =	vpop (xrf2)  }
0x100: {  	v16 =	vadd.bf16 v16, v13;
	v15 =	vmul.bf16 v15, v11;
	v11 =	vadd.bf16 v7, v5;
	v17, _, _ =	vpop (xrf2)  }
0x101: {  	v5 =	vld [tilespmem:s20+$0x70];
	v6 =	vbroadcast v3, $0xF;
	v3 =	vmov s1;
	v17 =	vbroadcast v17, $0xF  }
0x102: {  	v7 =	vld [tilespmem:s17+$0x70];
	vm0 =	veq.s32 v3, v0;
	v3 =	vbroadcast v12, $0xF;
	v12 =	vmul.bf16 v18, v22  }
0x103: {  	v22 =	vunpack.i.u.bf16.f32 v11;
	v10 =	vmul.bf16 v10, v14;
	v14 =	vunpack.i.l.bf16.f32 v11;
	v11 =	vld [tilespmem:s20+$0x50]  }
0x104: {  	v18 =	vsel vm0, v6, v20;
	v20 =	vmul.bf16 v9, v4;
	v4 =	vld [tilespmem:s20+$0x60];
	vm0 =	veq.s32 v23, v0  }
0x105: {  	s28 =	simm.s32 $0x2;
	v13 =	vunpack.i.u.bf16.f32 v16;
	v6 =	vld [tilespmem:s17+$0x60];
	v9 =	vsel vm0, v17, v18;
	v19 =	vadd.bf16 v15, v12  }
0x106: {  	s21 =	simm.s32 $0x3;
	v17 =	vmov s28;
	v15 =	vld [tilespmem:s17+$0x50];
	v12 =	vadd.bf16 v21, v8;
	v18 =	vadd.bf16 v20, v10  }
0x107: {  	v21 =	vunpack.i.l.bf16.f32 v16;
	v16 =	vmov s21;
	v10 =	vadd.f32 v14, v22;
	v14 =	vld [tilespmem:s20+$0x40]  }
0x108: {  	s19 =	simm.s32 $0x8;
	s18 =	simm.s32 $0x4;
	vm0 =	veq.s32 v17, v0;
	v20 =	vld [tilespmem:s17+$0x40];
	s20 =	sadd.s32 $0x100, s20;
	v17 =	vunpack.i.u.bf16.f32 v18;
	v18 =	vunpack.i.l.bf16.f32 v18;
	v8, _, _ =	vpop (xrf2)  }
.LBB2_9:
0x109: {  	p1 =	sne.s32 s19, $0xC  }
0x10a: {  	v22 =	vld [tilespmem:s20+$0xFFFFFF90];
	v23 =	vunpack.i.u.bf16.f32 v19;
	v13 =	vadd.f32 v21, v13;
	s17 =	sadd.s32 $0x100, s17;
	v3 =	vsel vm0, v3, v9;
	s21 =	smov.u32 s19;
	s19 =	sadd.s32 $0x4, s19  }
0x10b: {  	v19 =	vunpack.i.l.bf16.f32 v19;
	v5 =	vmul.bf16 v5, v7;
	v7 =	vbroadcast v8, $0xF;
	v9 =	vld [tilespmem:s20+$0x30]  }
0x10c: {  	vm0 =	veq.s32 v16, v0;
	v8 =	vld [tilespmem:s17+$0x30];
	v2 =	vadd.f32 v2, v13;
	v11 =	vmul.bf16 v11, v15  }
0x10d: {  	v15 =	vadd.f32 v19, v23;
	v16 =	vsel vm0, v7, v3;
	v13 =	vld [tilespmem:s20+$0x20]  }
0x10e: {  	v7 =	vunpack.i.u.bf16.f32 v12;
	v12 =	vunpack.i.l.bf16.f32 v12;
	v3 =	vld [tilespmem:s17+$0x20];
	v14 =	vmul.bf16 v14, v20;
	(xrf2) =	vadd.scan.msk.f32 $0xffff, v2  }
0x10f: {  	v7 =	vadd.f32 v12, v7;
	v2 =	vadd.f32 v18, v17;
	v19 =	vld [tilespmem:s20+$0x10]  }
0x110: {  	v4 =	vmul.bf16 v4, v6;
	v10 =	vadd.f32 v10, v15;
	v12 =	vld [tilespmem:s20+$0xFFFFFFF0];
	v6 =	vadd.bf16 v11, v14  }
0x111: {  	v2 =	vadd.f32 v7, v2;
	v11 =	vld [tilespmem:s17+$0x0];
	v8 =	vmul.bf16 v9, v8  }
0x112: {  	v4 =	vadd.bf16 v5, v4;
	v7 =	vld [tilespmem:s20+$0x0];
	v5 =	vunpack.i.u.bf16.f32 v6;
	v6 =	vunpack.i.l.bf16.f32 v6  }
0x113: {  	v9 =	vld [tilespmem:s17+$0xFFFFFFF0];
	v3 =	vmul.bf16 v13, v3;
	v5 =	vadd.f32 v6, v5;
	(xrf2) =	vadd.scan.msk.f32 $0xffff, v2  }
0x114: {  	v2 =	vunpack.i.u.bf16.f32 v4;
	v4 =	vunpack.i.l.bf16.f32 v4;
	v6 =	vld [tilespmem:s20+$0xFFFFFFB0]  }
0x115: {  	v2 =	vadd.f32 v4, v2;
	v13 =	vld [tilespmem:s17+$0x10];
	v17 =	vadd.bf16 v8, v3  }
0x116: {  	v4 =	vld [tilespmem:s20+$0xFFFFFFE0];
	(xrf2) =	vadd.scan.msk.f32 $0xffff, v10  }
0x117: {  	v5 =	vadd.f32 v2, v5;
	v8 =	vld [tilespmem:s17+$0xFFFFFFB0];
	v10 =	vunpack.i.u.bf16.f32 v17;
	v15 =	vunpack.i.l.bf16.f32 v17  }
0x118: {  	v14 =	vld [tilespmem:s20+$0xFFFFFFA0];
	v9 =	vmul.bf16 v12, v9;
	v2 =	vadd.f32 v15, v10;
	v3, _, _ =	vpop (xrf2)  }
0x119: {  	v10 =	vld [tilespmem:s20+$0xFFFFFFD0];
	(xrf2) =	vadd.scan.msk.f32 $0xffff, v5  }
0x11a: {  	v5 =	vld [tilespmem:s17+$0xFFFFFFE0];
	v12 =	vmul.bf16 v19, v13  }
0x11b: {  	v13 =	vld [tilespmem:s17+$0xFFFFFFD0]  }
0x11c: {  	v15 =	vld [tilespmem:s17+$0xFFFFFF80];
	v17 =	vmul.bf16 v6, v8  }
0x11d: {  	v6 =	vld [tilespmem:s17+$0xFFFFFFC0];
	v8, _, _ =	vpop (xrf2)  }
0x11e: {  	v18 =	vld [tilespmem:s20+$0xFFFFFFC0];
	v8 =	vbroadcast v8, $0xF  }
0x11f: {  	v19 =	vld [tilespmem:s17+$0xFFFFFF90];
	v4 =	vmul.bf16 v4, v5  }
0x120: {  	v7 =	vmul.bf16 v7, v11;
	v11 =	vmov s18;
	v20 =	vld [tilespmem:s20+$0xFFFFFF80];
	v5, _, _ =	vpop (xrf2)  }
0x121: {  	s22 =	sadd.s32 $0x1, s18;
	v10 =	vmul.bf16 v10, v13;
	v21 =	vld [tilespmem:s17+$0xFFFFFFA0];
	v23 =	vadd.bf16 v9, v4;
	v9 =	vbroadcast v5, $0xF  }
0x122: {  	vm0 =	veq.s32 v11, v0;
	v11 =	vmov s22;
	v3 =	vbroadcast v3, $0xF;
	v5 =	vld [tilespmem:s20+$0x70]  }
0x123: {  	v24 =	vadd.bf16 v12, v7;
	v12 =	vsel vm0, v8, v16;
	v18 =	vmul.bf16 v18, v6;
	v7 =	vld [tilespmem:s17+$0x70];
	v8, _, _ =	vpop (xrf2)  }
0x124: {  	s22 =	sadd.s32 $0x2, s18;
	vm0 =	veq.s32 v11, v0;
	v16 =	vmul.bf16 v22, v19;
	v22 =	vunpack.i.u.bf16.f32 v23;
	v4 =	vld [tilespmem:s20+$0x60]  }
.Ltmp7:
0x125: {  	v13 =	vunpack.i.u.bf16.f32 v24;
	v9 =	vsel vm0, v9, v12;
	v15 =	vmul.bf16 v20, v15;
	v6 =	vld [tilespmem:s17+$0x60];
	(pc) =	sbr.rel @p1 .LBB2_9-.Ltmp7, $4  }
0x126: {  	v20 =	vmov s22;
	v12 =	vmul.bf16 v14, v21;
	v14 =	vunpack.i.l.bf16.f32 v23;
	v11 =	vld [tilespmem:s20+$0x50]  }
0x127: {  	v19 =	vadd.bf16 v10, v18;
	vm0 =	veq.s32 v20, v0;
	v16 =	vadd.bf16 v16, v15;
	v15 =	vld [tilespmem:s17+$0x50]  }
0x128: {  	s22 =	sadd.s32 $0x3, s18;
	s18 =	smov.u32 s21;
	v21 =	vunpack.i.l.bf16.f32 v24;
	v10 =	vadd.f32 v14, v22;
	v12 =	vadd.bf16 v17, v12;
	v14 =	vld [tilespmem:s20+$0x40]  }
0x129: {  	s20 =	sadd.s32 $0x100, s20;
	v17 =	vunpack.i.u.bf16.f32 v16;
	v18 =	vunpack.i.l.bf16.f32 v16;
	v20 =	vld [tilespmem:s17+$0x40];
	v16 =	vmov s22  }
0x12a: {  	_ = 	snop  }
0x12b: {  	v22 =	vunpack.i.u.bf16.f32 v19;
	v13 =	vadd.f32 v21, v13  }
0x12c: {  	v46 =	vunpack.i.l.bf16.f32 v19;
	v5 =	vmul.bf16 v5, v7;
	v49 =	vunpack.i.u.bf16.f32 v12  }
0x12d: {  	v50 =	vunpack.i.l.bf16.f32 v12;
	v17 =	vadd.f32 v18, v17;
	v4 =	vmul.bf16 v4, v6  }
0x12e: {  	v48 =	vadd.f32 v46, v22;
	v47 =	vmul.bf16 v11, v15;
	v14 =	vmul.bf16 v14, v20  }
0x12f: {  	v51 =	vadd.f32 v50, v49;
	v4 =	vadd.bf16 v5, v4  }
0x130: {  	v2 =	vadd.f32 v2, v13;
	v7 =	vadd.bf16 v47, v14  }
0x131: {  	v52 =	vadd.f32 v10, v48;
	v6 =	vadd.f32 v51, v17;
	v54 =	vunpack.i.u.bf16.f32 v4  }
0x132: {  	(xrf2) =	vadd.scan.msk.f32 $0xffff, v2;
	v4 =	vunpack.i.l.bf16.f32 v4;
	v53 =	vunpack.i.u.bf16.f32 v7;
	v2 =	vunpack.i.l.bf16.f32 v7  }
0x133: {  	v4 =	vadd.f32 v4, v54;
	v2 =	vadd.f32 v2, v53  }
0x134: {  	(xrf2) =	vadd.scan.msk.f32 $0xffff, v6  }
0x135: {  	(xrf2) =	vadd.scan.msk.f32 $0xffff, v52;
	v2 =	vadd.f32 v4, v2;
	_ =	sdelay $0x1  }
0x136: {  	(xrf2) =	vadd.scan.msk.f32 $0xffff, v2;
	_ =	sdelay $0x5  }
0x137: {  	v55 =	vbroadcast v8, $0xF;
	v58 =	vmov s18;
	v2, _, _ =	vpop (xrf2)  }
0x138: {  	v3 =	vsel vm0, v3, v9;
	vm11 =	veq.s32 v16, v0;
	s17 =	sadd.s32 $0x1, s18;
	s21 =	sadd.s32 $0x2, s18;
	vm12 =	veq.s32 v58, v0;
	v56, _, _ =	vpop (xrf2)  }
0x139: {  	s22 =	sadd.s32 $0x3, s18;
	s28 =	sshll.u32 s16, $0x4;
	s16 =	sadd.s32 $0x1, s16;
	v60 =	vmov s17;
	v62 =	vmov s21;
	v57 =	vbroadcast v56, $0xF;
	v59, _, _ =	vpop (xrf2)  }
0x13a: {  	v63 =	vmov s22;
	p1 =	sne.s32 s16, $0x5;
	v3 =	vsel vm11, v55, v3;
	v6 =	vbroadcast v59, $0xF  }
.Ltmp8:
0x13b: {  	vm13 =	veq.s32 v60, v0;
	v2 =	vbroadcast v2, $0xF;
	v3 =	vsel vm12, v57, v3;
	v61, _, _ =	vpop (xrf2);
	(pc) =	sbr.rel @p1 .LBB2_8-.Ltmp8, $4  }
0x13c: {  	vm14 =	veq.s32 v62, v0;
	v3 =	vsel vm13, v6, v3;
	v4 =	vbroadcast v61, $0xF  }
0x13d: {  	vm15 =	veq.s32 v63, v0;
	v2 =	vsel vm14, v2, v3  }
0x13e: {  	s17 =	sand.u32 $0x3FFFFFF0, s28;
	v2 =	vsel vm15, v4, v2  }
0x13f: {  	s14 =	sadd.s32 $0x400, s14;
	s15 =	sadd.s32 $0x400, s15;
	[tilespmem:v1+s17+$0x0 ss:$0x1] =	vst.idx.msk $0xffff, v2  }
.LBB2_11:
0x140: {  	p1 =	sgt.u32 s30, $0x1D;
	s0 =	sor.u32 $0x2, s0  }
0x141: {  	s1 =	smul.u32 @!p1 $0x140, s30;
	p2 =	sgt.u32 s0, $0x7C  }
.Ltmp9:
0x142: {  	_ = 	snop;
	(pc) =	sbr.rel @p2 .LBB2_16-.Ltmp9, $4  }
0x143: {  	s14 =	simm.s32 @!p1 $0x50;
	s16 =	simm.s32 @!p1 $0x9D40;
	s15 =	sadd.s32 @!p1 $0x190, s1  }
0x144: {  	[tilespmem:s16], [sflag:$0x2] =	stream.indirect.gather @!p1 [spmem:s2], $0x40, s15, s14, $0xb8;
	[tilespmem:$0x1B180] =	vst v63  }
0x145: {  	s15 =	sadd.s32 @!p1 $0x28A0, s1;
	s16 =	simm.s32 @!p1 $0xB140  }
0x146: {  	[tilespmem:s16], [sflag:$0x2] =	stream.indirect.gather @!p1 [spmem:s2], $0x40, s15, s14, $0xb8;
	[tilespmem:$0x1B180] =	vst v63  }
0x147: {  	_ =	swait.ge [sflag:s25], $0x1400  }
0x148: {  	s0 =	smul.u32 $0x140, s0;
	[sflag:s25] =	ssyncset.done $0x0  }
0x149: {  	[sflag:s25] =	ssyncadd.s32 $0xFFFFEC00  }
0x14a: {  	s15 =	simm.s32 $0xD9C0;
	s0 =	sshra.s32 s0, $0x2;
	_ =	swait.ge [sflag:s25], $0x1400  }
0x14b: {  	s16 =	simm.s32 $0xC5C0;
	s17 =	sadd.s32 $0x4E20, s0;
	[sflag:s25] =	ssyncset.done $0x0  }
0x14c: {  	s0 =	simm.s32 $0x0;
	v1 =	vmov s17;
	s17 =	simm.s32 $0x0;
	[sflag:s25] =	ssyncadd.s32 $0xFFFFEC00  }
.LBB2_13:
0x14d: {  	v2 =	vld [tilespmem:s15+$0xFFFFFF90]  }
0x14e: {  	v3 =	vld [tilespmem:s15+$0x30]  }
0x14f: {  	v4 =	vld [tilespmem:s16+$0x30]  }
0x150: {  	v5 =	vld [tilespmem:s15+$0x20]  }
0x151: {  	v6 =	vld [tilespmem:s16+$0x20]  }
0x152: {  	v7 =	vld [tilespmem:s15+$0x10]  }
0x153: {  	v8 =	vld [tilespmem:s15+$0xFFFFFFF0]  }
0x154: {  	v9 =	vld [tilespmem:s16+$0x0]  }
0x155: {  	v10 =	vld [tilespmem:s15+$0x0]  }
0x156: {  	v11 =	vld [tilespmem:s16+$0xFFFFFFF0]  }
0x157: {  	v12 =	vld [tilespmem:s15+$0xFFFFFFB0]  }
0x158: {  	v13 =	vld [tilespmem:s16+$0x10]  }
0x159: {  	v14 =	vld [tilespmem:s15+$0xFFFFFFE0]  }
0x15a: {  	v15 =	vld [tilespmem:s16+$0xFFFFFFB0]  }
0x15b: {  	v16 =	vld [tilespmem:s15+$0xFFFFFFA0]  }
0x15c: {  	v17 =	vld [tilespmem:s15+$0xFFFFFFD0]  }
0x15d: {  	v18 =	vld [tilespmem:s16+$0xFFFFFFE0]  }
0x15e: {  	v19 =	vld [tilespmem:s16+$0xFFFFFFD0]  }
0x15f: {  	v20 =	vld [tilespmem:s16+$0xFFFFFF80]  }
0x160: {  	v21 =	vld [tilespmem:s16+$0xFFFFFFC0]  }
0x161: {  	v22 =	vld [tilespmem:s15+$0xFFFFFFC0]  }
0x162: {  	v23 =	vld [tilespmem:s16+$0xFFFFFF90]  }
0x163: {  	v24 =	vld [tilespmem:s15+$0xFFFFFF80]  }
0x164: {  	v25 =	vld [tilespmem:s16+$0xFFFFFFA0]  }
0x165: {  	v26 =	vld [tilespmem:s15+$0x70]  }
0x166: {  	v27 =	vld [tilespmem:s16+$0x70]  }
0x167: {  	v28 =	vld [tilespmem:s15+$0x60]  }
0x168: {  	v3 =	vmul.bf16 v3, v4;
	v4 =	vmul.bf16 v5, v6;
	v5 =	vld [tilespmem:s16+$0x60]  }
0x169: {  	v6 =	vmul.bf16 v8, v11;
	v8 =	vld [tilespmem:s15+$0x50];
	v12 =	vmul.bf16 v12, v15  }
0x16a: {  	v11 =	vld [tilespmem:s16+$0x50];
	v9 =	vmul.bf16 v10, v9;
	v15 =	vmul.bf16 v22, v21  }
0x16b: {  	s18 =	sadd.s32 $0x100, s16;
	v10 =	vld [tilespmem:s15+$0x40];
	v2 =	vmul.bf16 v2, v23;
	v16 =	vmul.bf16 v16, v25;
	v3 =	vadd.bf16 v3, v4  }
0x16c: {  	s21 =	sadd.s32 $0x100, s15;
	v22 =	vld [tilespmem:s18+$0xFFFFFFC0];
	v4 =	vmul.bf16 v7, v13;
	v7 =	vmul.bf16 v14, v18  }
0x16d: {  	v13 =	vmul.bf16 v17, v19;
	v17 =	vld [tilespmem:s21+$0x30];
	v12 =	vadd.bf16 v12, v16;
	v14 =	vunpack.i.u.bf16.f32 v3  }
0x16e: {  	v6 =	vadd.bf16 v6, v7;
	v7 =	vld [tilespmem:s16+$0x40];
	v3 =	vunpack.i.l.bf16.f32 v3;
	v4 =	vadd.bf16 v4, v9  }
0x16f: {  	v9 =	vld [tilespmem:s21+$0xFFFFFF90];
	v13 =	vadd.bf16 v13, v15;
	v3 =	vadd.f32 v3, v14;
	v14 =	vmul.bf16 v24, v20  }
0x170: {  	v15 =	vld [tilespmem:s18+$0x20];
	v18 =	vunpack.i.u.bf16.f32 v6;
	v19 =	vunpack.i.u.bf16.f32 v4;
	v6 =	vunpack.i.l.bf16.f32 v6  }
0x171: {  	v20 =	vld [tilespmem:s18+$0x30];
	v4 =	vunpack.i.l.bf16.f32 v4;
	v21 =	vunpack.i.u.bf16.f32 v13;
	v2 =	vadd.bf16 v2, v14  }
0x172: {  	v14 =	vld [tilespmem:s21+$0x20];
	v4 =	vadd.f32 v4, v19;
	v19 =	vunpack.i.u.bf16.f32 v12;
	v12 =	vunpack.i.l.bf16.f32 v12  }
0x173: {  	v13 =	vunpack.i.l.bf16.f32 v13;
	v6 =	vadd.f32 v6, v18;
	v18 =	vld [tilespmem:s21+$0x10];
	v12 =	vadd.f32 v12, v19  }
0x174: {  	v19 =	vld [tilespmem:s18+$0x0];
	v16 =	vunpack.i.u.bf16.f32 v2;
	v2 =	vunpack.i.l.bf16.f32 v2;
	v3 =	vadd.f32 v3, v4  }
0x175: {  	v4 =	vadd.f32 v13, v21;
	v13 =	vld [tilespmem:s21+$0x0];
	v2 =	vadd.f32 v2, v16  }
0x176: {  	v7 =	vmul.bf16 v10, v7;
	v10 =	vld [tilespmem:s21+$0xFFFFFFE0]  }
0x177: {  	v16 =	vld [tilespmem:s21+$0xFFFFFFF0];
	v2 =	vadd.f32 v12, v2  }
0x178: {  	(xrf2) =	vadd.scan.msk.f32 $0xffff, v3;
	v3 =	vadd.f32 v6, v4;
	v4 =	vld [tilespmem:s21+$0xFFFFFFB0];
	v6 =	vmul.bf16 v8, v11  }
0x179: {  	v5 =	vmul.bf16 v28, v5;
	v8 =	vmul.bf16 v26, v27;
	v12 =	vld [tilespmem:s18+$0xFFFFFFF0];
	(xrf2) =	vadd.scan.msk.f32 $0xffff, v2  }
0x17a: {  	v14 =	vmul.bf16 v14, v15;
	v15 =	vld [tilespmem:s21+$0xFFFFFFD0];
	(xrf2) =	vadd.scan.msk.f32 $0xffff, v3;
	v3 =	vadd.bf16 v6, v7  }
0x17b: {  	v5 =	vadd.bf16 v8, v5;
	v8 =	vld [tilespmem:s21+$0xFFFFFFA0];
	v13 =	vmul.bf16 v13, v19  }
0x17c: {  	v2 =	vld [tilespmem:s18+$0x10];
	v7 =	vmul.bf16 v17, v20;
	v11 =	vunpack.i.u.bf16.f32 v3;
	v3 =	vunpack.i.l.bf16.f32 v3  }
0x17d: {  	v19 =	vld [tilespmem:s18+$0xFFFFFFA0];
	v3 =	vadd.f32 v3, v11;
	v11 =	vunpack.i.u.bf16.f32 v5;
	v5 =	vunpack.i.l.bf16.f32 v5  }
0x17e: {  	v17 =	vld [tilespmem:s18+$0xFFFFFFE0];
	v5 =	vadd.f32 v5, v11  }
0x17f: {  	v6 =	vld [tilespmem:s18+$0xFFFFFFB0];
	v7 =	vadd.bf16 v7, v14  }
0x180: {  	v11 =	vld [tilespmem:s18+$0xFFFFFFD0];
	v3 =	vadd.f32 v5, v3  }
0x181: {  	v14 =	vld [tilespmem:s18+$0xFFFFFF80];
	v21 =	vunpack.i.u.bf16.f32 v7  }
0x182: {  	s19 =	simm.s32 $0x1;
	v5 =	vunpack.i.l.bf16.f32 v7;
	v7 =	vmul.bf16 v16, v12;
	v16 =	vmul.bf16 v18, v2;
	v18 =	vld [tilespmem:s21+$0xFFFFFFC0]  }
0x183: {  	v23 =	vmov s19;
	v12, _, _ =	vpop (xrf2);
	v2 =	vadd.f32 v5, v21;
	v5 =	vmul.bf16 v10, v17;
	v10 =	vld [tilespmem:s21+$0xFFFFFF80];
	(xrf2) =	vadd.scan.msk.f32 $0xffff, v3  }
0x184: {  	v20 =	vimm.f32 $0.0e+00;
	v8 =	vmul.bf16 v8, v19;
	v21 =	vmul.bf16 v4, v6;
	v4 =	vld [tilespmem:s18+$0xFFFFFF90];
	v3, _, _ =	vpop (xrf2)  }
0x185: {  	v16 =	vadd.bf16 v16, v13;
	v15 =	vmul.bf16 v15, v11;
	v11 =	vadd.bf16 v7, v5;
	v17, _, _ =	vpop (xrf2)  }
0x186: {  	v5 =	vld [tilespmem:s21+$0x70];
	v6 =	vbroadcast v3, $0xF;
	v3 =	vmov s0;
	v17 =	vbroadcast v17, $0xF  }
0x187: {  	v7 =	vld [tilespmem:s18+$0x70];
	vm0 =	veq.s32 v3, v0;
	v3 =	vbroadcast v12, $0xF;
	v12 =	vmul.bf16 v18, v22  }
0x188: {  	v22 =	vunpack.i.u.bf16.f32 v11;
	v10 =	vmul.bf16 v10, v14;
	v14 =	vunpack.i.l.bf16.f32 v11;
	v11 =	vld [tilespmem:s21+$0x50]  }
0x189: {  	v18 =	vsel vm0, v6, v20;
	v20 =	vmul.bf16 v9, v4;
	v4 =	vld [tilespmem:s21+$0x60];
	vm0 =	veq.s32 v23, v0  }
0x18a: {  	s28 =	simm.s32 $0x2;
	v13 =	vunpack.i.u.bf16.f32 v16;
	v6 =	vld [tilespmem:s18+$0x60];
	v9 =	vsel vm0, v17, v18;
	v19 =	vadd.bf16 v15, v12  }
0x18b: {  	s22 =	simm.s32 $0x3;
	v17 =	vmov s28;
	v15 =	vld [tilespmem:s18+$0x50];
	v12 =	vadd.bf16 v21, v8;
	v18 =	vadd.bf16 v20, v10  }
0x18c: {  	v21 =	vunpack.i.l.bf16.f32 v16;
	v16 =	vmov s22;
	v10 =	vadd.f32 v14, v22;
	v14 =	vld [tilespmem:s21+$0x40]  }
0x18d: {  	s20 =	simm.s32 $0x8;
	s19 =	simm.s32 $0x4;
	vm0 =	veq.s32 v17, v0;
	v20 =	vld [tilespmem:s18+$0x40];
	s21 =	sadd.s32 $0x100, s21;
	v17 =	vunpack.i.u.bf16.f32 v18;
	v18 =	vunpack.i.l.bf16.f32 v18;
	v8, _, _ =	vpop (xrf2)  }
.LBB2_14:
0x18e: {  	p2 =	sne.s32 s20, $0xC  }
0x18f: {  	v22 =	vld [tilespmem:s21+$0xFFFFFF90];
	v23 =	vunpack.i.u.bf16.f32 v19;
	v13 =	vadd.f32 v21, v13;
	s18 =	sadd.s32 $0x100, s18;
	v3 =	vsel vm0, v3, v9;
	s22 =	smov.u32 s20;
	s20 =	sadd.s32 $0x4, s20  }
0x190: {  	v19 =	vunpack.i.l.bf16.f32 v19;
	v5 =	vmul.bf16 v5, v7;
	v7 =	vbroadcast v8, $0xF;
	v9 =	vld [tilespmem:s21+$0x30]  }
0x191: {  	vm0 =	veq.s32 v16, v0;
	v8 =	vld [tilespmem:s18+$0x30];
	v2 =	vadd.f32 v2, v13;
	v11 =	vmul.bf16 v11, v15  }
0x192: {  	v15 =	vadd.f32 v19, v23;
	v16 =	vsel vm0, v7, v3;
	v13 =	vld [tilespmem:s21+$0x20]  }
0x193: {  	v7 =	vunpack.i.u.bf16.f32 v12;
	v12 =	vunpack.i.l.bf16.f32 v12;
	v3 =	vld [tilespmem:s18+$0x20];
	v14 =	vmul.bf16 v14, v20;
	(xrf2) =	vadd.scan.msk.f32 $0xffff, v2  }
0x194: {  	v7 =	vadd.f32 v12, v7;
	v2 =	vadd.f32 v18, v17;
	v19 =	vld [tilespmem:s21+$0x10]  }
0x195: {  	v4 =	vmul.bf16 v4, v6;
	v10 =	vadd.f32 v10, v15;
	v12 =	vld [tilespmem:s21+$0xFFFFFFF0];
	v6 =	vadd.bf16 v11, v14  }
0x196: {  	v2 =	vadd.f32 v7, v2;
	v11 =	vld [tilespmem:s18+$0x0];
	v8 =	vmul.bf16 v9, v8  }
0x197: {  	v4 =	vadd.bf16 v5, v4;
	v7 =	vld [tilespmem:s21+$0x0];
	v5 =	vunpack.i.u.bf16.f32 v6;
	v6 =	vunpack.i.l.bf16.f32 v6  }
0x198: {  	v9 =	vld [tilespmem:s18+$0xFFFFFFF0];
	v3 =	vmul.bf16 v13, v3;
	v5 =	vadd.f32 v6, v5;
	(xrf2) =	vadd.scan.msk.f32 $0xffff, v2  }
0x199: {  	v2 =	vunpack.i.u.bf16.f32 v4;
	v4 =	vunpack.i.l.bf16.f32 v4;
	v6 =	vld [tilespmem:s21+$0xFFFFFFB0]  }
0x19a: {  	v2 =	vadd.f32 v4, v2;
	v13 =	vld [tilespmem:s18+$0x10];
	v17 =	vadd.bf16 v8, v3  }
0x19b: {  	v4 =	vld [tilespmem:s21+$0xFFFFFFE0];
	(xrf2) =	vadd.scan.msk.f32 $0xffff, v10  }
0x19c: {  	v5 =	vadd.f32 v2, v5;
	v8 =	vld [tilespmem:s18+$0xFFFFFFB0];
	v10 =	vunpack.i.u.bf16.f32 v17;
	v15 =	vunpack.i.l.bf16.f32 v17  }
0x19d: {  	v14 =	vld [tilespmem:s21+$0xFFFFFFA0];
	v9 =	vmul.bf16 v12, v9;
	v2 =	vadd.f32 v15, v10;
	v3, _, _ =	vpop (xrf2)  }
0x19e: {  	v10 =	vld [tilespmem:s21+$0xFFFFFFD0];
	(xrf2) =	vadd.scan.msk.f32 $0xffff, v5  }
0x19f: {  	v5 =	vld [tilespmem:s18+$0xFFFFFFE0];
	v12 =	vmul.bf16 v19, v13  }
0x1a0: {  	v13 =	vld [tilespmem:s18+$0xFFFFFFD0]  }
0x1a1: {  	v15 =	vld [tilespmem:s18+$0xFFFFFF80];
	v17 =	vmul.bf16 v6, v8  }
0x1a2: {  	v6 =	vld [tilespmem:s18+$0xFFFFFFC0];
	v8, _, _ =	vpop (xrf2)  }
0x1a3: {  	v18 =	vld [tilespmem:s21+$0xFFFFFFC0];
	v8 =	vbroadcast v8, $0xF  }
0x1a4: {  	v19 =	vld [tilespmem:s18+$0xFFFFFF90];
	v4 =	vmul.bf16 v4, v5  }
0x1a5: {  	v7 =	vmul.bf16 v7, v11;
	v11 =	vmov s19;
	v20 =	vld [tilespmem:s21+$0xFFFFFF80];
	v5, _, _ =	vpop (xrf2)  }
0x1a6: {  	s28 =	sadd.s32 $0x1, s19;
	v10 =	vmul.bf16 v10, v13;
	v21 =	vld [tilespmem:s18+$0xFFFFFFA0];
	v23 =	vadd.bf16 v9, v4;
	v9 =	vbroadcast v5, $0xF  }
0x1a7: {  	vm0 =	veq.s32 v11, v0;
	v11 =	vmov s28;
	v3 =	vbroadcast v3, $0xF;
	v5 =	vld [tilespmem:s21+$0x70]  }
0x1a8: {  	v24 =	vadd.bf16 v12, v7;
	v12 =	vsel vm0, v8, v16;
	v18 =	vmul.bf16 v18, v6;
	v7 =	vld [tilespmem:s18+$0x70];
	v8, _, _ =	vpop (xrf2)  }
0x1a9: {  	s28 =	sadd.s32 $0x2, s19;
	vm0 =	veq.s32 v11, v0;
	v16 =	vmul.bf16 v22, v19;
	v22 =	vunpack.i.u.bf16.f32 v23;
	v4 =	vld [tilespmem:s21+$0x60]  }
.Ltmp10:
0x1aa: {  	v13 =	vunpack.i.u.bf16.f32 v24;
	v9 =	vsel vm0, v9, v12;
	v15 =	vmul.bf16 v20, v15;
	v6 =	vld [tilespmem:s18+$0x60];
	(pc) =	sbr.rel @p2 .LBB2_14-.Ltmp10, $4  }
0x1ab: {  	v20 =	vmov s28;
	v12 =	vmul.bf16 v14, v21;
	v14 =	vunpack.i.l.bf16.f32 v23;
	v11 =	vld [tilespmem:s21+$0x50]  }
0x1ac: {  	v19 =	vadd.bf16 v10, v18;
	vm0 =	veq.s32 v20, v0;
	v16 =	vadd.bf16 v16, v15;
	v15 =	vld [tilespmem:s18+$0x50]  }
0x1ad: {  	s28 =	sadd.s32 $0x3, s19;
	s19 =	smov.u32 s22;
	v21 =	vunpack.i.l.bf16.f32 v24;
	v10 =	vadd.f32 v14, v22;
	v12 =	vadd.bf16 v17, v12;
	v14 =	vld [tilespmem:s21+$0x40]  }
0x1ae: {  	s21 =	sadd.s32 $0x100, s21;
	v17 =	vunpack.i.u.bf16.f32 v16;
	v18 =	vunpack.i.l.bf16.f32 v16;
	v20 =	vld [tilespmem:s18+$0x40];
	v16 =	vmov s28  }
0x1af: {  	_ = 	snop  }
0x1b0: {  	v22 =	vunpack.i.u.bf16.f32 v19;
	v13 =	vadd.f32 v21, v13  }
0x1b1: {  	v46 =	vunpack.i.l.bf16.f32 v19;
	v5 =	vmul.bf16 v5, v7;
	v49 =	vunpack.i.u.bf16.f32 v12  }
0x1b2: {  	v50 =	vunpack.i.l.bf16.f32 v12;
	v17 =	vadd.f32 v18, v17;
	v4 =	vmul.bf16 v4, v6  }
0x1b3: {  	v48 =	vadd.f32 v46, v22;
	v47 =	vmul.bf16 v11, v15;
	v14 =	vmul.bf16 v14, v20  }
0x1b4: {  	v51 =	vadd.f32 v50, v49;
	v4 =	vadd.bf16 v5, v4  }
0x1b5: {  	v2 =	vadd.f32 v2, v13;
	v7 =	vadd.bf16 v47, v14  }
0x1b6: {  	v52 =	vadd.f32 v10, v48;
	v6 =	vadd.f32 v51, v17;
	v54 =	vunpack.i.u.bf16.f32 v4  }
0x1b7: {  	(xrf2) =	vadd.scan.msk.f32 $0xffff, v2;
	v4 =	vunpack.i.l.bf16.f32 v4;
	v53 =	vunpack.i.u.bf16.f32 v7;
	v2 =	vunpack.i.l.bf16.f32 v7  }
0x1b8: {  	v4 =	vadd.f32 v4, v54;
	v2 =	vadd.f32 v2, v53  }
0x1b9: {  	(xrf2) =	vadd.scan.msk.f32 $0xffff, v6  }
0x1ba: {  	(xrf2) =	vadd.scan.msk.f32 $0xffff, v52;
	v2 =	vadd.f32 v4, v2;
	_ =	sdelay $0x1  }
0x1bb: {  	(xrf2) =	vadd.scan.msk.f32 $0xffff, v2;
	_ =	sdelay $0x5  }
0x1bc: {  	v55 =	vbroadcast v8, $0xF;
	v58 =	vmov s19;
	v2, _, _ =	vpop (xrf2)  }
0x1bd: {  	v3 =	vsel vm0, v3, v9;
	vm11 =	veq.s32 v16, v0;
	s18 =	sadd.s32 $0x1, s19;
	s21 =	sadd.s32 $0x2, s19;
	vm12 =	veq.s32 v58, v0;
	v56, _, _ =	vpop (xrf2)  }
0x1be: {  	s22 =	sadd.s32 $0x3, s19;
	s28 =	sshll.u32 s17, $0x4;
	s17 =	sadd.s32 $0x1, s17;
	v60 =	vmov s18;
	v62 =	vmov s21;
	v57 =	vbroadcast v56, $0xF;
	v59, _, _ =	vpop (xrf2)  }
0x1bf: {  	v63 =	vmov s22;
	p2 =	sne.s32 s17, $0x5;
	v3 =	vsel vm11, v55, v3;
	v6 =	vbroadcast v59, $0xF  }
.Ltmp11:
0x1c0: {  	vm13 =	veq.s32 v60, v0;
	v2 =	vbroadcast v2, $0xF;
	v3 =	vsel vm12, v57, v3;
	v61, _, _ =	vpop (xrf2);
	(pc) =	sbr.rel @p2 .LBB2_13-.Ltmp11, $4  }
0x1c1: {  	vm14 =	veq.s32 v62, v0;
	v3 =	vsel vm13, v6, v3;
	v4 =	vbroadcast v61, $0xF  }
0x1c2: {  	vm15 =	veq.s32 v63, v0;
	v2 =	vsel vm14, v2, v3  }
0x1c3: {  	s18 =	sand.u32 $0x3FFFFFF0, s28;
	v2 =	vsel vm15, v4, v2  }
0x1c4: {  	s15 =	sadd.s32 $0x400, s15;
	s16 =	sadd.s32 $0x400, s16;
	[tilespmem:v1+s18+$0x0 ss:$0x1] =	vst.idx.msk $0xffff, v2  }
.LBB2_16:
.Ltmp12:
0x1c5: {  	(pc) =	sbr.rel @p0 .LBB2_21-.Ltmp12, $4  }
0x1c6: {  	s0 =	sadd.s32 @!p1 $0x1E0, s1;
	s15 =	simm.s32 @!p1 $0xC540  }
0x1c7: {  	[tilespmem:s15], [sflag:$0x3] =	stream.indirect.gather @!p1 [spmem:s2], $0x40, s0, s14, $0xb8;
	[tilespmem:$0x1B180] =	vst v63  }
0x1c8: {  	s0 =	sadd.s32 @!p1 $0x28F0, s1;
	s1 =	simm.s32 @!p1 $0xD940  }
0x1c9: {  	[tilespmem:s1], [sflag:$0x3] =	stream.indirect.gather @!p1 [spmem:s2], $0x40, s0, s14, $0xb8;
	[tilespmem:$0x1B180] =	vst v63  }
0x1ca: {  	_ =	swait.ge [sflag:s26], $0x1400  }
0x1cb: {  	s0 =	smul.u32 $0x140, s31;
	[sflag:s26] =	ssyncset.done $0x0  }
0x1cc: {  	[sflag:s26] =	ssyncadd.s32 $0xFFFFEC00  }
0x1cd: {  	s1 =	simm.s32 $0x101C0;
	s0 =	sshra.s32 s0, $0x2;
	_ =	swait.ge [sflag:s26], $0x1400  }
0x1ce: {  	s14 =	simm.s32 $0xEDC0;
	s15 =	sadd.s32 $0x4E20, s0;
	[sflag:s26] =	ssyncset.done $0x0  }
0x1cf: {  	s0 =	simm.s32 $0x0;
	v1 =	vmov s15;
	s15 =	simm.s32 $0x0;
	[sflag:s26] =	ssyncadd.s32 $0xFFFFEC00  }
.LBB2_18:
0x1d0: {  	v2 =	vld [tilespmem:s1+$0xFFFFFF90]  }
0x1d1: {  	v3 =	vld [tilespmem:s1+$0x30]  }
0x1d2: {  	v4 =	vld [tilespmem:s14+$0x30]  }
0x1d3: {  	v5 =	vld [tilespmem:s1+$0x20]  }
0x1d4: {  	v6 =	vld [tilespmem:s14+$0x20]  }
0x1d5: {  	v7 =	vld [tilespmem:s1+$0x10]  }
0x1d6: {  	v8 =	vld [tilespmem:s1+$0xFFFFFFF0]  }
0x1d7: {  	v9 =	vld [tilespmem:s14+$0x0]  }
0x1d8: {  	v10 =	vld [tilespmem:s1+$0x0]  }
0x1d9: {  	v11 =	vld [tilespmem:s14+$0xFFFFFFF0]  }
0x1da: {  	v12 =	vld [tilespmem:s1+$0xFFFFFFB0]  }
0x1db: {  	v13 =	vld [tilespmem:s14+$0x10]  }
0x1dc: {  	v14 =	vld [tilespmem:s1+$0xFFFFFFE0]  }
0x1dd: {  	v15 =	vld [tilespmem:s14+$0xFFFFFFB0]  }
0x1de: {  	v16 =	vld [tilespmem:s1+$0xFFFFFFA0]  }
0x1df: {  	v17 =	vld [tilespmem:s1+$0xFFFFFFD0]  }
0x1e0: {  	v18 =	vld [tilespmem:s14+$0xFFFFFFE0]  }
0x1e1: {  	v19 =	vld [tilespmem:s14+$0xFFFFFFD0]  }
0x1e2: {  	v20 =	vld [tilespmem:s14+$0xFFFFFF80]  }
0x1e3: {  	v21 =	vld [tilespmem:s14+$0xFFFFFFC0]  }
0x1e4: {  	v22 =	vld [tilespmem:s1+$0xFFFFFFC0]  }
0x1e5: {  	v23 =	vld [tilespmem:s14+$0xFFFFFF90]  }
0x1e6: {  	v24 =	vld [tilespmem:s1+$0xFFFFFF80]  }
0x1e7: {  	v25 =	vld [tilespmem:s14+$0xFFFFFFA0]  }
0x1e8: {  	v26 =	vld [tilespmem:s1+$0x70]  }
0x1e9: {  	v27 =	vld [tilespmem:s14+$0x70]  }
0x1ea: {  	v28 =	vld [tilespmem:s1+$0x60]  }
0x1eb: {  	v3 =	vmul.bf16 v3, v4;
	v4 =	vmul.bf16 v5, v6;
	v5 =	vld [tilespmem:s14+$0x60]  }
0x1ec: {  	v6 =	vmul.bf16 v8, v11;
	v8 =	vld [tilespmem:s1+$0x50];
	v12 =	vmul.bf16 v12, v15  }
0x1ed: {  	v11 =	vld [tilespmem:s14+$0x50];
	v9 =	vmul.bf16 v10, v9;
	v15 =	vmul.bf16 v22, v21  }
0x1ee: {  	s16 =	sadd.s32 $0x100, s14;
	v10 =	vld [tilespmem:s1+$0x40];
	v2 =	vmul.bf16 v2, v23;
	v16 =	vmul.bf16 v16, v25;
	v3 =	vadd.bf16 v3, v4  }
0x1ef: {  	s19 =	sadd.s32 $0x100, s1;
	v22 =	vld [tilespmem:s16+$0xFFFFFFC0];
	v4 =	vmul.bf16 v7, v13;
	v7 =	vmul.bf16 v14, v18  }
0x1f0: {  	v13 =	vmul.bf16 v17, v19;
	v17 =	vld [tilespmem:s19+$0x30];
	v12 =	vadd.bf16 v12, v16;
	v14 =	vunpack.i.u.bf16.f32 v3  }
0x1f1: {  	v6 =	vadd.bf16 v6, v7;
	v7 =	vld [tilespmem:s14+$0x40];
	v3 =	vunpack.i.l.bf16.f32 v3;
	v4 =	vadd.bf16 v4, v9  }
0x1f2: {  	v9 =	vld [tilespmem:s19+$0xFFFFFF90];
	v13 =	vadd.bf16 v13, v15;
	v3 =	vadd.f32 v3, v14;
	v14 =	vmul.bf16 v24, v20  }
0x1f3: {  	v15 =	vld [tilespmem:s16+$0x20];
	v18 =	vunpack.i.u.bf16.f32 v6;
	v19 =	vunpack.i.u.bf16.f32 v4;
	v6 =	vunpack.i.l.bf16.f32 v6  }
0x1f4: {  	v20 =	vld [tilespmem:s16+$0x30];
	v4 =	vunpack.i.l.bf16.f32 v4;
	v21 =	vunpack.i.u.bf16.f32 v13;
	v2 =	vadd.bf16 v2, v14  }
0x1f5: {  	v14 =	vld [tilespmem:s19+$0x20];
	v4 =	vadd.f32 v4, v19;
	v19 =	vunpack.i.u.bf16.f32 v12;
	v12 =	vunpack.i.l.bf16.f32 v12  }
0x1f6: {  	v13 =	vunpack.i.l.bf16.f32 v13;
	v6 =	vadd.f32 v6, v18;
	v18 =	vld [tilespmem:s19+$0x10];
	v12 =	vadd.f32 v12, v19  }
0x1f7: {  	v19 =	vld [tilespmem:s16+$0x0];
	v16 =	vunpack.i.u.bf16.f32 v2;
	v2 =	vunpack.i.l.bf16.f32 v2;
	v3 =	vadd.f32 v3, v4  }
0x1f8: {  	v4 =	vadd.f32 v13, v21;
	v13 =	vld [tilespmem:s19+$0x0];
	v2 =	vadd.f32 v2, v16  }
0x1f9: {  	v7 =	vmul.bf16 v10, v7;
	v10 =	vld [tilespmem:s19+$0xFFFFFFE0]  }
0x1fa: {  	v16 =	vld [tilespmem:s19+$0xFFFFFFF0];
	v2 =	vadd.f32 v12, v2  }
0x1fb: {  	(xrf2) =	vadd.scan.msk.f32 $0xffff, v3;
	v3 =	vadd.f32 v6, v4;
	v4 =	vld [tilespmem:s19+$0xFFFFFFB0];
	v6 =	vmul.bf16 v8, v11  }
0x1fc: {  	v5 =	vmul.bf16 v28, v5;
	v8 =	vmul.bf16 v26, v27;
	v12 =	vld [tilespmem:s16+$0xFFFFFFF0];
	(xrf2) =	vadd.scan.msk.f32 $0xffff, v2  }
0x1fd: {  	v14 =	vmul.bf16 v14, v15;
	v15 =	vld [tilespmem:s19+$0xFFFFFFD0];
	(xrf2) =	vadd.scan.msk.f32 $0xffff, v3;
	v3 =	vadd.bf16 v6, v7  }
0x1fe: {  	v5 =	vadd.bf16 v8, v5;
	v8 =	vld [tilespmem:s19+$0xFFFFFFA0];
	v13 =	vmul.bf16 v13, v19  }
0x1ff: {  	v2 =	vld [tilespmem:s16+$0x10];
	v7 =	vmul.bf16 v17, v20;
	v11 =	vunpack.i.u.bf16.f32 v3;
	v3 =	vunpack.i.l.bf16.f32 v3  }
0x200: {  	v19 =	vld [tilespmem:s16+$0xFFFFFFA0];
	v3 =	vadd.f32 v3, v11;
	v11 =	vunpack.i.u.bf16.f32 v5;
	v5 =	vunpack.i.l.bf16.f32 v5  }
0x201: {  	v17 =	vld [tilespmem:s16+$0xFFFFFFE0];
	v5 =	vadd.f32 v5, v11  }
0x202: {  	v6 =	vld [tilespmem:s16+$0xFFFFFFB0];
	v7 =	vadd.bf16 v7, v14  }
0x203: {  	v11 =	vld [tilespmem:s16+$0xFFFFFFD0];
	v3 =	vadd.f32 v5, v3  }
0x204: {  	v14 =	vld [tilespmem:s16+$0xFFFFFF80];
	v21 =	vunpack.i.u.bf16.f32 v7  }
0x205: {  	s17 =	simm.s32 $0x1;
	v5 =	vunpack.i.l.bf16.f32 v7;
	v7 =	vmul.bf16 v16, v12;
	v16 =	vmul.bf16 v18, v2;
	v18 =	vld [tilespmem:s19+$0xFFFFFFC0]  }
0x206: {  	v23 =	vmov s17;
	v12, _, _ =	vpop (xrf2);
	v2 =	vadd.f32 v5, v21;
	v5 =	vmul.bf16 v10, v17;
	v10 =	vld [tilespmem:s19+$0xFFFFFF80];
	(xrf2) =	vadd.scan.msk.f32 $0xffff, v3  }
0x207: {  	v20 =	vimm.f32 $0.0e+00;
	v8 =	vmul.bf16 v8, v19;
	v21 =	vmul.bf16 v4, v6;
	v4 =	vld [tilespmem:s16+$0xFFFFFF90];
	v3, _, _ =	vpop (xrf2)  }
0x208: {  	v16 =	vadd.bf16 v16, v13;
	v15 =	vmul.bf16 v15, v11;
	v11 =	vadd.bf16 v7, v5;
	v17, _, _ =	vpop (xrf2)  }
0x209: {  	v5 =	vld [tilespmem:s19+$0x70];
	v6 =	vbroadcast v3, $0xF;
	v3 =	vmov s0;
	v17 =	vbroadcast v17, $0xF  }
0x20a: {  	v7 =	vld [tilespmem:s16+$0x70];
	vm0 =	veq.s32 v3, v0;
	v3 =	vbroadcast v12, $0xF;
	v12 =	vmul.bf16 v18, v22  }
0x20b: {  	v22 =	vunpack.i.u.bf16.f32 v11;
	v10 =	vmul.bf16 v10, v14;
	v14 =	vunpack.i.l.bf16.f32 v11;
	v11 =	vld [tilespmem:s19+$0x50]  }
0x20c: {  	v18 =	vsel vm0, v6, v20;
	v20 =	vmul.bf16 v9, v4;
	v4 =	vld [tilespmem:s19+$0x60];
	vm0 =	veq.s32 v23, v0  }
0x20d: {  	s31 =	simm.s32 $0x2;
	v13 =	vunpack.i.u.bf16.f32 v16;
	v6 =	vld [tilespmem:s16+$0x60];
	v9 =	vsel vm0, v17, v18;
	v19 =	vadd.bf16 v15, v12  }
0x20e: {  	s20 =	simm.s32 $0x3;
	v17 =	vmov s31;
	v15 =	vld [tilespmem:s16+$0x50];
	v12 =	vadd.bf16 v21, v8;
	v18 =	vadd.bf16 v20, v10  }
0x20f: {  	v21 =	vunpack.i.l.bf16.f32 v16;
	v16 =	vmov s20;
	v10 =	vadd.f32 v14, v22;
	v14 =	vld [tilespmem:s19+$0x40]  }
0x210: {  	s18 =	simm.s32 $0x8;
	s17 =	simm.s32 $0x4;
	vm0 =	veq.s32 v17, v0;
	v20 =	vld [tilespmem:s16+$0x40];
	s19 =	sadd.s32 $0x100, s19;
	v17 =	vunpack.i.u.bf16.f32 v18;
	v18 =	vunpack.i.l.bf16.f32 v18;
	v8, _, _ =	vpop (xrf2)  }
.LBB2_19:
0x211: {  	p0 =	sne.s32 s18, $0xC  }
0x212: {  	v22 =	vld [tilespmem:s19+$0xFFFFFF90];
	v23 =	vunpack.i.u.bf16.f32 v19;
	v13 =	vadd.f32 v21, v13;
	s16 =	sadd.s32 $0x100, s16;
	v3 =	vsel vm0, v3, v9;
	s20 =	smov.u32 s18;
	s18 =	sadd.s32 $0x4, s18  }
0x213: {  	v19 =	vunpack.i.l.bf16.f32 v19;
	v5 =	vmul.bf16 v5, v7;
	v7 =	vbroadcast v8, $0xF;
	v9 =	vld [tilespmem:s19+$0x30]  }
0x214: {  	vm0 =	veq.s32 v16, v0;
	v8 =	vld [tilespmem:s16+$0x30];
	v2 =	vadd.f32 v2, v13;
	v11 =	vmul.bf16 v11, v15  }
0x215: {  	v15 =	vadd.f32 v19, v23;
	v16 =	vsel vm0, v7, v3;
	v13 =	vld [tilespmem:s19+$0x20]  }
0x216: {  	v7 =	vunpack.i.u.bf16.f32 v12;
	v12 =	vunpack.i.l.bf16.f32 v12;
	v3 =	vld [tilespmem:s16+$0x20];
	v14 =	vmul.bf16 v14, v20;
	(xrf2) =	vadd.scan.msk.f32 $0xffff, v2  }
0x217: {  	v7 =	vadd.f32 v12, v7;
	v2 =	vadd.f32 v18, v17;
	v19 =	vld [tilespmem:s19+$0x10]  }
0x218: {  	v4 =	vmul.bf16 v4, v6;
	v10 =	vadd.f32 v10, v15;
	v12 =	vld [tilespmem:s19+$0xFFFFFFF0];
	v6 =	vadd.bf16 v11, v14  }
0x219: {  	v2 =	vadd.f32 v7, v2;
	v11 =	vld [tilespmem:s16+$0x0];
	v8 =	vmul.bf16 v9, v8  }
0x21a: {  	v4 =	vadd.bf16 v5, v4;
	v7 =	vld [tilespmem:s19+$0x0];
	v5 =	vunpack.i.u.bf16.f32 v6;
	v6 =	vunpack.i.l.bf16.f32 v6  }
0x21b: {  	v9 =	vld [tilespmem:s16+$0xFFFFFFF0];
	v3 =	vmul.bf16 v13, v3;
	v5 =	vadd.f32 v6, v5;
	(xrf2) =	vadd.scan.msk.f32 $0xffff, v2  }
0x21c: {  	v2 =	vunpack.i.u.bf16.f32 v4;
	v4 =	vunpack.i.l.bf16.f32 v4;
	v6 =	vld [tilespmem:s19+$0xFFFFFFB0]  }
0x21d: {  	v2 =	vadd.f32 v4, v2;
	v13 =	vld [tilespmem:s16+$0x10];
	v17 =	vadd.bf16 v8, v3  }
0x21e: {  	v4 =	vld [tilespmem:s19+$0xFFFFFFE0];
	(xrf2) =	vadd.scan.msk.f32 $0xffff, v10  }
0x21f: {  	v5 =	vadd.f32 v2, v5;
	v8 =	vld [tilespmem:s16+$0xFFFFFFB0];
	v10 =	vunpack.i.u.bf16.f32 v17;
	v15 =	vunpack.i.l.bf16.f32 v17  }
0x220: {  	v14 =	vld [tilespmem:s19+$0xFFFFFFA0];
	v9 =	vmul.bf16 v12, v9;
	v2 =	vadd.f32 v15, v10;
	v3, _, _ =	vpop (xrf2)  }
0x221: {  	v10 =	vld [tilespmem:s19+$0xFFFFFFD0];
	(xrf2) =	vadd.scan.msk.f32 $0xffff, v5  }
0x222: {  	v5 =	vld [tilespmem:s16+$0xFFFFFFE0];
	v12 =	vmul.bf16 v19, v13  }
0x223: {  	v13 =	vld [tilespmem:s16+$0xFFFFFFD0]  }
0x224: {  	v15 =	vld [tilespmem:s16+$0xFFFFFF80];
	v17 =	vmul.bf16 v6, v8  }
0x225: {  	v6 =	vld [tilespmem:s16+$0xFFFFFFC0];
	v8, _, _ =	vpop (xrf2)  }
0x226: {  	v18 =	vld [tilespmem:s19+$0xFFFFFFC0];
	v8 =	vbroadcast v8, $0xF  }
0x227: {  	v19 =	vld [tilespmem:s16+$0xFFFFFF90];
	v4 =	vmul.bf16 v4, v5  }
0x228: {  	v7 =	vmul.bf16 v7, v11;
	v11 =	vmov s17;
	v20 =	vld [tilespmem:s19+$0xFFFFFF80];
	v5, _, _ =	vpop (xrf2)  }
0x229: {  	s21 =	sadd.s32 $0x1, s17;
	v10 =	vmul.bf16 v10, v13;
	v21 =	vld [tilespmem:s16+$0xFFFFFFA0];
	v23 =	vadd.bf16 v9, v4;
	v9 =	vbroadcast v5, $0xF  }
0x22a: {  	vm0 =	veq.s32 v11, v0;
	v11 =	vmov s21;
	v3 =	vbroadcast v3, $0xF;
	v5 =	vld [tilespmem:s19+$0x70]  }
0x22b: {  	v24 =	vadd.bf16 v12, v7;
	v12 =	vsel vm0, v8, v16;
	v18 =	vmul.bf16 v18, v6;
	v7 =	vld [tilespmem:s16+$0x70];
	v8, _, _ =	vpop (xrf2)  }
0x22c: {  	s21 =	sadd.s32 $0x2, s17;
	vm0 =	veq.s32 v11, v0;
	v16 =	vmul.bf16 v22, v19;
	v22 =	vunpack.i.u.bf16.f32 v23;
	v4 =	vld [tilespmem:s19+$0x60]  }
.Ltmp13:
0x22d: {  	v13 =	vunpack.i.u.bf16.f32 v24;
	v9 =	vsel vm0, v9, v12;
	v15 =	vmul.bf16 v20, v15;
	v6 =	vld [tilespmem:s16+$0x60];
	(pc) =	sbr.rel @p0 .LBB2_19-.Ltmp13, $4  }
0x22e: {  	v20 =	vmov s21;
	v12 =	vmul.bf16 v14, v21;
	v14 =	vunpack.i.l.bf16.f32 v23;
	v11 =	vld [tilespmem:s19+$0x50]  }
0x22f: {  	v19 =	vadd.bf16 v10, v18;
	vm0 =	veq.s32 v20, v0;
	v16 =	vadd.bf16 v16, v15;
	v15 =	vld [tilespmem:s16+$0x50]  }
0x230: {  	s21 =	sadd.s32 $0x3, s17;
	s17 =	smov.u32 s20;
	v21 =	vunpack.i.l.bf16.f32 v24;
	v10 =	vadd.f32 v14, v22;
	v12 =	vadd.bf16 v17, v12;
	v14 =	vld [tilespmem:s19+$0x40]  }
0x231: {  	s19 =	sadd.s32 $0x100, s19;
	v17 =	vunpack.i.u.bf16.f32 v16;
	v18 =	vunpack.i.l.bf16.f32 v16;
	v20 =	vld [tilespmem:s16+$0x40];
	v16 =	vmov s21  }
0x232: {  	_ = 	snop  }
0x233: {  	v22 =	vunpack.i.u.bf16.f32 v19;
	v13 =	vadd.f32 v21, v13  }
0x234: {  	v46 =	vunpack.i.l.bf16.f32 v19;
	v5 =	vmul.bf16 v5, v7;
	v49 =	vunpack.i.u.bf16.f32 v12  }
0x235: {  	v50 =	vunpack.i.l.bf16.f32 v12;
	v17 =	vadd.f32 v18, v17;
	v4 =	vmul.bf16 v4, v6  }
0x236: {  	v48 =	vadd.f32 v46, v22;
	v47 =	vmul.bf16 v11, v15;
	v14 =	vmul.bf16 v14, v20  }
0x237: {  	v51 =	vadd.f32 v50, v49;
	v4 =	vadd.bf16 v5, v4  }
0x238: {  	v2 =	vadd.f32 v2, v13;
	v7 =	vadd.bf16 v47, v14  }
0x239: {  	v52 =	vadd.f32 v10, v48;
	v6 =	vadd.f32 v51, v17;
	v54 =	vunpack.i.u.bf16.f32 v4  }
0x23a: {  	(xrf2) =	vadd.scan.msk.f32 $0xffff, v2;
	v4 =	vunpack.i.l.bf16.f32 v4;
	v53 =	vunpack.i.u.bf16.f32 v7;
	v2 =	vunpack.i.l.bf16.f32 v7  }
0x23b: {  	v4 =	vadd.f32 v4, v54;
	v2 =	vadd.f32 v2, v53  }
0x23c: {  	(xrf2) =	vadd.scan.msk.f32 $0xffff, v6  }
0x23d: {  	(xrf2) =	vadd.scan.msk.f32 $0xffff, v52;
	v2 =	vadd.f32 v4, v2;
	_ =	sdelay $0x1  }
0x23e: {  	(xrf2) =	vadd.scan.msk.f32 $0xffff, v2;
	_ =	sdelay $0x5  }
0x23f: {  	v55 =	vbroadcast v8, $0xF;
	v58 =	vmov s17;
	v2, _, _ =	vpop (xrf2)  }
0x240: {  	v3 =	vsel vm0, v3, v9;
	vm11 =	veq.s32 v16, v0;
	s16 =	sadd.s32 $0x1, s17;
	s22 =	sadd.s32 $0x2, s17;
	vm12 =	veq.s32 v58, v0;
	v56, _, _ =	vpop (xrf2)  }
0x241: {  	s28 =	sadd.s32 $0x3, s17;
	s31 =	sshll.u32 s15, $0x4;
	s15 =	sadd.s32 $0x1, s15;
	v60 =	vmov s16;
	v62 =	vmov s22;
	v57 =	vbroadcast v56, $0xF;
	v59, _, _ =	vpop (xrf2)  }
0x242: {  	v63 =	vmov s28;
	p0 =	sne.s32 s15, $0x5;
	v3 =	vsel vm11, v55, v3;
	v6 =	vbroadcast v59, $0xF  }
.Ltmp14:
0x243: {  	vm13 =	veq.s32 v60, v0;
	v2 =	vbroadcast v2, $0xF;
	v3 =	vsel vm12, v57, v3;
	v61, _, _ =	vpop (xrf2);
	(pc) =	sbr.rel @p0 .LBB2_18-.Ltmp14, $4  }
.Ltmp15:
0x244: {  	vm14 =	veq.s32 v62, v0;
	v3 =	vsel vm13, v6, v3;
	v4 =	vbroadcast v61, $0xF;
	(pc) =	sbr.rel @!p0 .LBB2_21-.Ltmp15, $4  }
0x245: {  	vm15 =	veq.s32 v63, v0;
	v2 =	vsel vm14, v2, v3  }
0x246: {  	s16 =	sand.u32 $0x3FFFFFF0, s31;
	v2 =	vsel vm15, v4, v2  }
0x247: {  	s1 =	sadd.s32 $0x400, s1;
	s14 =	sadd.s32 $0x400, s14;
	[tilespmem:v1+s16+$0x0 ss:$0x1] =	vst.idx.msk $0xffff, v2  }
0x248: {  	_ = 	snop  }
.LBB2_23:
0x249: {  	_ =	sfence.sel $0x180000  }
0x24a: {  	[bflag:$0x0] =	sbarrier.arrive $0xFFFF  }
0x24b: {  	_ =	strace $0x90000047  }
0x24c: {  	s0 =	stileid.u32;
	[bflag:$0x2] =	sbarrier.arrive $0xFFFF  }
0x24d: {  	p0 =	sne.s32 s0, $0x0;
	s0 =	rddreg [dreg:$0x3]  }
0x24e: {  	s0 =	sadd.s32 @!p0 $0x100000, s0  }
0x24f: {  	[sflag:s0] =	ssyncadd.tile.s32 @!p0 $0x1;
	_ =	shalt  }
.Lfunc_end2:
_tile_overlayer_lowered:
.L_overlay_start_2:
0x250: {  	(tag) =	ssettag $0x2  }
0x251: {  	s0 =	rddreg [dreg:$0x0];
	s2 =	stileid.u32  }
0x252: {  	s1 =	rddreg [dreg:$0x1];
	p0 =	sne.s32 s2, $0x0  }
0x253: {  	s3 =	rddreg [dreg:$0x2];
	[bflag:$0x3] =	sbarrier.arrive $0xFFFF;
	s2 =	simm.s32 @!p0 $0x1C05  }
0x254: {  	[timem:s3], [sflag:s2] =	dma.local @!p0 [hbm:s0], s1  }
0x255: {  	s0 =	simm.s32 @!p0 $0x5  }
0x256: {  	_ =	swait.ge @!p0 [sflag:s0], s1  }
0x257: {  	s1 =	ssub.s32 @!p0 $0x0, s1;
	[sflag:s0] =	ssyncset.done @!p0 $0x0  }
0x258: {  	[sflag:s0] =	ssyncadd.s32 @!p0 s1  }
0x259: {  	[bflag:$0x3] =	sbarrier.arrive $0xFFFF  }
0x25a: {  	_ =	shalt  }

</sc_bundles>
